<compile_context>
chip_gen: v7x
topology: tpu7x:2x2x1
jax: 0.10.2.dev20260603
libtpu: 0.0.44.dev20260713+nightly
codegen_flags: <defaults>
</compile_context>

<pallas_src>
import functools

import numpy as np
import jax
import jax.numpy as jnp
from jax import lax
from jax.experimental import pallas as pl
from jax.experimental.pallas import tpu as pltpu
from jax.experimental.pallas import tpu_sc as plsc

_MAXLEN = 2048
_D = 128
_B = 4
_BT = _B * _MAXLEN
_NC, _NS, _L = 2, 16, 16
_NW = _NC * _NS
_LPW = _MAXLEN // _NW
_NPH = 2
_SL = _LPW // _NPH


def _positional_encoding():
    pos = np.arange(_MAXLEN)[:, np.newaxis]
    i = np.arange(_D)[np.newaxis, :]
    angle = pos * (1.0 / np.power(10000, 2 * (i // 2) / np.float32(_D)))
    angle[:, 0::2] = np.sin(angle[:, 0::2])
    angle[:, 1::2] = np.cos(angle[:, 1::2])
    return angle.astype(np.float32)


_POS = _positional_encoding()

_mesh = plsc.VectorSubcoreMesh(core_axis_name="c", subcore_axis_name="s")


@functools.partial(
    pl.kernel,
    mesh=_mesh,
    out_type=jax.ShapeDtypeStruct((_BT, _D), jnp.float32),
    scratch_types=[
        pltpu.VMEM((_B, _LPW), jnp.int32),
        pltpu.VMEM((_LPW, _D), jnp.float32),
        pltpu.VMEM((_B * _LPW, _D), jnp.float32),
        pltpu.SemaphoreType.DMA,
        [pltpu.SemaphoreType.DMA] * (_B * _NPH),
        pltpu.SemaphoreType.DMA,
    ],
)
def _emb_kernel(x_hbm, table_hbm, pos_hbm, out_hbm, idx_v, pos_v, rows_v,
                psem, gsems, osem):
    wid = lax.axis_index("s") * _NC + lax.axis_index("c")
    l0 = wid * _LPW

    def gather(k, b):
        return pltpu.async_copy(
            table_hbm.at[idx_v.at[b, pl.ds(k * _SL, _SL)]],
            rows_v.at[pl.ds(b * _LPW + k * _SL, _SL)],
            gsems[k * _B + b],
        )

    def gather_add(k, b):
        return pltpu.async_copy(
            table_hbm.at[idx_v.at[b, pl.ds(k * _SL, _SL)]],
            rows_v.at[pl.ds(b * _LPW + k * _SL, _SL)],
            gsems[k * _B + b],
            add=True,
        )

    pltpu.sync_copy(x_hbm.at[:, wid], idx_v)
    g_h = [gather(0, 0)]
    ph = pltpu.async_copy(pos_hbm.at[pl.ds(l0, _LPW)], pos_v, psem)
    for b in range(1, _B):
        g_h.append(gather(0, b))
    ph.wait()

    def init_pos(p, carry):
        i = _SL + p
        pv = [pos_v[i, pl.ds(j * _L, _L)] for j in range(_D // _L)]
        for b in range(_B):
            r = b * _LPW + i
            for j in range(_D // _L):
                rows_v[r, pl.ds(j * _L, _L)] = pv[j]
        return carry

    lax.fori_loop(0, _SL, init_pos, 0)
    for b in range(_B):
        g_h.append(gather_add(1, b))

    o_h = []
    for b in range(_B):
        g_h[b].wait()
    for lo, hi in [(0, _SL // 2), (_SL // 2, _SL)]:

        def add_pos(p, carry):
            pv = [pos_v[p, pl.ds(j * _L, _L)] for j in range(_D // _L)]
            for b in range(_B):
                r = b * _LPW + p
                for j in range(_D // _L):
                    s = pl.ds(j * _L, _L)
                    rows_v[r, s] = rows_v[r, s] + pv[j]
            return carry

        lax.fori_loop(lo, hi, add_pos, 0)
        for b in range(_B):
            o_h.append(
                pltpu.async_copy(
                    rows_v.at[pl.ds(b * _LPW + lo, hi - lo)],
                    out_hbm.at[pl.ds(b * _MAXLEN + l0 + lo, hi - lo)],
                    osem,
                )
            )
    for b in range(_B):
        g_h[_B + b].wait()
        o_h.append(
            pltpu.async_copy(
                rows_v.at[pl.ds(b * _LPW + _SL, _SL)],
                out_hbm.at[pl.ds(b * _MAXLEN + l0 + _SL, _SL)],
                osem,
            )
        )
    for h in o_h:
        h.wait()


def kernel(x, table):
    idx = x.reshape(_B, _NW, _LPW).astype(jnp.int32)
    out = _emb_kernel(idx, table, jnp.asarray(_POS))
    return out.reshape(_B, _MAXLEN, _D)

# --- scband reference (transcript-rebuilt; emitter-appended) ---
"""Pipeline reference for scband-token-and-position-embedding-52742198395299 (READ-ONLY COPY).

The authoritative reference and input builder live on the scoring server;
editing this copy changes nothing except your own understanding.
"""

import jax, jax.numpy as jnp
import numpy as np

MAXLEN = 2048
VOCAB = 100000
D_MODEL = 128

def get_angles(pos, i, d_model):
    angle_rates = 1 / np.power(10000, 2 * (i // 2) / np.float32(d_model))
    return pos * angle_rates

def positional_encoding(position, d_model):
    angle_rads = get_angles(np.arange(position)[:, np.newaxis], np.arange(d_model)[np.newaxis, :], d_model)
    angle_rads[:, 0::2] = np.sin(angle_rads[:, 0::2])
    angle_rads[:, 1::2] = np.cos(angle_rads[:, 1::2])
    pos_encoding = angle_rads[np.newaxis, ...]
    return jnp.asarray(pos_encoding, dtype=jnp.float32)

def setup_inputs(seed: int = 0) -> dict:
    key = jax.random.key(seed)
    k1, k2 = jax.random.split(key)
    x = jax.random.randint(k1, (4, MAXLEN), 0, VOCAB, dtype=jnp.int64) if jax.config.jax_enable_x64 else jax.random.randint(k1, (4, MAXLEN), 0, VOCAB, dtype=jnp.int32)
    # Keras Embedding default init: uniform(-0.05, 0.05)
    table = jax.random.uniform(k2, (VOCAB, D_MODEL), minval=-0.05, maxval=0.05, dtype=jnp.float32)
    return {"x": x, "table": table}

def reference(x, table):
    token_emb = jnp.take(table, x, axis=0)  # [B, L, d_model] embedding gather
    pos_enc = positional_encoding(MAXLEN, D_MODEL)  # [1, L, d_model]
    return pos_enc + token_emb

if __name__ == "__main__":
    import jax
    _d = setup_inputs()
    print(jax.jit(kernel)(*tuple(_d.values())))

</pallas_src>

<mosaic_0001>
#map = affine_map<(d0, d1) -> (0, 0, 0)>
#map1 = affine_map<(d0, d1) -> (0, 0)>
module attributes {stable_mosaic.version = 14 : i64} {
  func.func @_emb_kernel(%arg0: i32, %arg1: i32, %arg2: memref<4x32x64xi32, #tpu.memory_space<hbm>>, %arg3: memref<100000x128xf32, #tpu.memory_space<hbm>>, %arg4: memref<2048x128xf32, #tpu.memory_space<hbm>>, %arg5: memref<8192x128xf32, #tpu.memory_space<hbm>>, %arg6: memref<4x64xi32, #tpu.memory_space<vmem>>, %arg7: memref<64x128xf32, #tpu.memory_space<vmem>>, %arg8: memref<256x128xf32, #tpu.memory_space<vmem>>, %arg9: memref<!tpu.dma_semaphore, #tpu.memory_space<semaphore_mem>>, %arg10: memref<!tpu.dma_semaphore, #tpu.memory_space<semaphore_mem>>, %arg11: memref<!tpu.dma_semaphore, #tpu.memory_space<semaphore_mem>>, %arg12: memref<!tpu.dma_semaphore, #tpu.memory_space<semaphore_mem>>, %arg13: memref<!tpu.dma_semaphore, #tpu.memory_space<semaphore_mem>>, %arg14: memref<!tpu.dma_semaphore, #tpu.memory_space<semaphore_mem>>, %arg15: memref<!tpu.dma_semaphore, #tpu.memory_space<semaphore_mem>>, %arg16: memref<!tpu.dma_semaphore, #tpu.memory_space<semaphore_mem>>, %arg17: memref<!tpu.dma_semaphore, #tpu.memory_space<semaphore_mem>>, %arg18: memref<!tpu.dma_semaphore, #tpu.memory_space<semaphore_mem>>) attributes {dimension_semantics = [#tpu.dimension_semantics<core_parallel>, #tpu.dimension_semantics<subcore_parallel>], iteration_bounds = array<i64: 2, 16>, scalar_prefetch = 0 : i64, scratch_operands = 13 : i64, tpu.core_type = #tpu.core_type<sc_vector_subcore>, window_params = [{transform_indices = #map}, {transform_indices = #map1}, {transform_indices = #map1}, {transform_indices = #map1}]} {
    %mul3A = arith.constant 2 : i32
    %mul3A_0 = arith.muli %arg1, %mul3A : i32
    %add3A = arith.addi %mul3A_0, %arg0 : i32
    %mul3A_1 = arith.constant 64 : i32
    %mul3A_2 = arith.muli %add3A, %mul3A_1 : i32
    "tpu.region"() ({
      %run_scoped3A = tpu.sem_alloc : memref<!tpu.dma_semaphore, #tpu.memory_space<semaphore_mem>>
      %dma_start3A_474 = arith.constant 0 : i32
      %dma_start3A_475 = arith.constant 0 : i32
      %dma_start3A_476 = tpu.memref_slice %arg2[%dma_start3A_474, %add3A, %dma_start3A_475] : memref<4x32x64xi32, #tpu.memory_space<hbm>> -> memref<4x1x64xi32, #tpu.memory_space<hbm>>
      %dma_start3A_477 = tpu.memref_squeeze %dma_start3A_476 : memref<4x1x64xi32, #tpu.memory_space<hbm>> -> memref<4x64xi32, #tpu.memory_space<hbm>>
      %dma_start3A_478 = arith.constant 0 : i32
      %dma_start3A_479 = arith.constant 0 : i32
      %dma_start3A_480 = tpu.memref_slice %arg2[%dma_start3A_478, %add3A, %dma_start3A_479] : memref<4x32x64xi32, #tpu.memory_space<hbm>> -> memref<4x1x64xi32, #tpu.memory_space<hbm>>
      %dma_start3A_481 = tpu.memref_squeeze %dma_start3A_480 : memref<4x1x64xi32, #tpu.memory_space<hbm>> -> memref<4x64xi32, #tpu.memory_space<hbm>>
      tpu.enqueue_dma source(%dma_start3A_481 : memref<4x64xi32, #tpu.memory_space<hbm>>) target(%arg6 : memref<4x64xi32, #tpu.memory_space<vmem>>) target_semaphore(%run_scoped3A : memref<!tpu.dma_semaphore, #tpu.memory_space<semaphore_mem>>)
      %dma_wait3A_482 = arith.constant 0 : i32
      %dma_wait3A_483 = arith.constant 0 : i32
      %dma_wait3A_484 = tpu.memref_slice %arg2[%dma_wait3A_482, %add3A, %dma_wait3A_483] : memref<4x32x64xi32, #tpu.memory_space<hbm>> -> memref<4x1x64xi32, #tpu.memory_space<hbm>>
      %dma_wait3A_485 = tpu.memref_squeeze %dma_wait3A_484 : memref<4x1x64xi32, #tpu.memory_space<hbm>> -> memref<4x64xi32, #tpu.memory_space<hbm>>
      %dma_wait3A_486 = arith.constant 0 : i32
      %dma_wait3A_487 = arith.constant 0 : i32
      %dma_wait3A_488 = tpu.memref_slice %arg2[%dma_wait3A_486, %add3A, %dma_wait3A_487] : memref<4x32x64xi32, #tpu.memory_space<hbm>> -> memref<4x1x64xi32, #tpu.memory_space<hbm>>
      %dma_wait3A_489 = tpu.memref_squeeze %dma_wait3A_488 : memref<4x1x64xi32, #tpu.memory_space<hbm>> -> memref<4x64xi32, #tpu.memory_space<hbm>>
      tpu.wait_dma2 semaphore(%run_scoped3A : memref<!tpu.dma_semaphore, #tpu.memory_space<semaphore_mem>>) src(%dma_wait3A_489 : memref<4x64xi32, #tpu.memory_space<hbm>>) dst(%arg6 : memref<4x64xi32, #tpu.memory_space<vmem>>)
      tpu.yield
    }) : () -> ()
    %dma_start3A = arith.constant 0 : i32
    %dma_start3A_3 = arith.constant 0 : i32
    %dma_start3A_4 = arith.constant 0 : i32
    %dma_start3A_5 = tpu.memref_slice %arg8[%dma_start3A_3, %dma_start3A_4] : memref<256x128xf32, #tpu.memory_space<vmem>> -> memref<32x128xf32, #tpu.memory_space<vmem>>
    %dma_start3A_6 = arith.constant 0 : i32
    %dma_start3A_7 = tpu.memref_slice %arg6[%dma_start3A, %dma_start3A_6] : memref<4x64xi32, #tpu.memory_space<vmem>> -> memref<1x32xi32, #tpu.memory_space<vmem>>
    %dma_start3A_8 = tpu.memref_squeeze %dma_start3A_7 : memref<1x32xi32, #tpu.memory_space<vmem>> -> memref<32xi32, #tpu.memory_space<vmem>>
    %dma_start3A_9 = arith.constant 0 : i32
    %dma_start3A_10 = arith.constant 0 : i32
    %dma_start3A_11 = tpu.memref_slice %arg3[%dma_start3A_9, %dma_start3A_10] : memref<100000x128xf32, #tpu.memory_space<hbm>> -> memref<100000x128xf32, #tpu.memory_space<hbm>>
    tpu.enqueue_indirect_dma source(%dma_start3A_11 : memref<100000x128xf32, #tpu.memory_space<hbm>>) target(%dma_start3A_5 : memref<32x128xf32, #tpu.memory_space<vmem>>) offsets(%dma_start3A_8 : memref<32xi32, #tpu.memory_space<vmem>>) semaphore(%arg10 : memref<!tpu.dma_semaphore, #tpu.memory_space<semaphore_mem>>)
    %dma_start3A_12 = arith.constant 0 : i32
    %dma_start3A_13 = tpu.memref_slice %arg4[%mul3A_2, %dma_start3A_12] : memref<2048x128xf32, #tpu.memory_space<hbm>> -> memref<64x128xf32, #tpu.memory_space<hbm>>
    %dma_start3A_14 = arith.constant 0 : i32
    %dma_start3A_15 = tpu.memref_slice %arg4[%mul3A_2, %dma_start3A_14] : memref<2048x128xf32, #tpu.memory_space<hbm>> -> memref<64x128xf32, #tpu.memory_space<hbm>>
    tpu.enqueue_dma source(%dma_start3A_15 : memref<64x128xf32, #tpu.memory_space<hbm>>) target(%arg7 : memref<64x128xf32, #tpu.memory_space<vmem>>) target_semaphore(%arg9 : memref<!tpu.dma_semaphore, #tpu.memory_space<semaphore_mem>>)
    %dma_start3A_16 = arith.constant 1 : i32
    %dma_start3A_17 = arith.constant 64 : i32
    %dma_start3A_18 = arith.constant 0 : i32
    %dma_start3A_19 = tpu.memref_slice %arg8[%dma_start3A_17, %dma_start3A_18] : memref<256x128xf32, #tpu.memory_space<vmem>> -> memref<32x128xf32, #tpu.memory_space<vmem>>
    %dma_start3A_20 = arith.constant 0 : i32
    %dma_start3A_21 = tpu.memref_slice %arg6[%dma_start3A_16, %dma_start3A_20] : memref<4x64xi32, #tpu.memory_space<vmem>> -> memref<1x32xi32, #tpu.memory_space<vmem>>
    %dma_start3A_22 = tpu.memref_squeeze %dma_start3A_21 : memref<1x32xi32, #tpu.memory_space<vmem>> -> memref<32xi32, #tpu.memory_space<vmem>>
    %dma_start3A_23 = arith.constant 0 : i32
    %dma_start3A_24 = arith.constant 0 : i32
    %dma_start3A_25 = tpu.memref_slice %arg3[%dma_start3A_23, %dma_start3A_24] : memref<100000x128xf32, #tpu.memory_space<hbm>> -> memref<100000x128xf32, #tpu.memory_space<hbm>>
    tpu.enqueue_indirect_dma source(%dma_start3A_25 : memref<100000x128xf32, #tpu.memory_space<hbm>>) target(%dma_start3A_19 : memref<32x128xf32, #tpu.memory_space<vmem>>) offsets(%dma_start3A_22 : memref<32xi32, #tpu.memory_space<vmem>>) semaphore(%arg11 : memref<!tpu.dma_semaphore, #tpu.memory_space<semaphore_mem>>)
    %dma_start3A_26 = arith.constant 2 : i32
    %dma_start3A_27 = arith.constant 128 : i32
    %dma_start3A_28 = arith.constant 0 : i32
    %dma_start3A_29 = tpu.memref_slice %arg8[%dma_start3A_27, %dma_start3A_28] : memref<256x128xf32, #tpu.memory_space<vmem>> -> memref<32x128xf32, #tpu.memory_space<vmem>>
    %dma_start3A_30 = arith.constant 0 : i32
    %dma_start3A_31 = tpu.memref_slice %arg6[%dma_start3A_26, %dma_start3A_30] : memref<4x64xi32, #tpu.memory_space<vmem>> -> memref<1x32xi32, #tpu.memory_space<vmem>>
    %dma_start3A_32 = tpu.memref_squeeze %dma_start3A_31 : memref<1x32xi32, #tpu.memory_space<vmem>> -> memref<32xi32, #tpu.memory_space<vmem>>
    %dma_start3A_33 = arith.constant 0 : i32
    %dma_start3A_34 = arith.constant 0 : i32
    %dma_start3A_35 = tpu.memref_slice %arg3[%dma_start3A_33, %dma_start3A_34] : memref<100000x128xf32, #tpu.memory_space<hbm>> -> memref<100000x128xf32, #tpu.memory_space<hbm>>
    tpu.enqueue_indirect_dma source(%dma_start3A_35 : memref<100000x128xf32, #tpu.memory_space<hbm>>) target(%dma_start3A_29 : memref<32x128xf32, #tpu.memory_space<vmem>>) offsets(%dma_start3A_32 : memref<32xi32, #tpu.memory_space<vmem>>) semaphore(%arg12 : memref<!tpu.dma_semaphore, #tpu.memory_space<semaphore_mem>>)
    %dma_start3A_36 = arith.constant 3 : i32
    %dma_start3A_37 = arith.constant 192 : i32
    %dma_start3A_38 = arith.constant 0 : i32
    %dma_start3A_39 = tpu.memref_slice %arg8[%dma_start3A_37, %dma_start3A_38] : memref<256x128xf32, #tpu.memory_space<vmem>> -> memref<32x128xf32, #tpu.memory_space<vmem>>
    %dma_start3A_40 = arith.constant 0 : i32
    %dma_start3A_41 = tpu.memref_slice %arg6[%dma_start3A_36, %dma_start3A_40] : memref<4x64xi32, #tpu.memory_space<vmem>> -> memref<1x32xi32, #tpu.memory_space<vmem>>
    %dma_start3A_42 = tpu.memref_squeeze %dma_start3A_41 : memref<1x32xi32, #tpu.memory_space<vmem>> -> memref<32xi32, #tpu.memory_space<vmem>>
    %dma_start3A_43 = arith.constant 0 : i32
    %dma_start3A_44 = arith.constant 0 : i32
    %dma_start3A_45 = tpu.memref_slice %arg3[%dma_start3A_43, %dma_start3A_44] : memref<100000x128xf32, #tpu.memory_space<hbm>> -> memref<100000x128xf32, #tpu.memory_space<hbm>>
    tpu.enqueue_indirect_dma source(%dma_start3A_45 : memref<100000x128xf32, #tpu.memory_space<hbm>>) target(%dma_start3A_39 : memref<32x128xf32, #tpu.memory_space<vmem>>) offsets(%dma_start3A_42 : memref<32xi32, #tpu.memory_space<vmem>>) semaphore(%arg13 : memref<!tpu.dma_semaphore, #tpu.memory_space<semaphore_mem>>)
    %dma_wait3A = arith.constant 0 : i32
    %dma_wait3A_46 = tpu.memref_slice %arg4[%mul3A_2, %dma_wait3A] : memref<2048x128xf32, #tpu.memory_space<hbm>> -> memref<64x128xf32, #tpu.memory_space<hbm>>
    %dma_wait3A_47 = arith.constant 0 : i32
    %dma_wait3A_48 = tpu.memref_slice %arg4[%mul3A_2, %dma_wait3A_47] : memref<2048x128xf32, #tpu.memory_space<hbm>> -> memref<64x128xf32, #tpu.memory_space<hbm>>
    tpu.wait_dma2 semaphore(%arg9 : memref<!tpu.dma_semaphore, #tpu.memory_space<semaphore_mem>>) src(%dma_wait3A_48 : memref<64x128xf32, #tpu.memory_space<hbm>>) dst(%arg7 : memref<64x128xf32, #tpu.memory_space<vmem>>)
    %scan3A = arith.constant 0 : i32
    %scan3A_49 = arith.constant 0 : i32
    %scan3A_50 = arith.constant 32 : i32
    %scan3A_51 = arith.addi %scan3A_49, %scan3A_50 : i32
    %scan3A_52 = arith.constant 1 : i32
    scf.for %scan3A_474 = %scan3A_49 to %scan3A_51 step %scan3A_52  : i32 {
      %add3A_475 = arith.constant 32 : i32
      %add3A_476 = arith.addi %add3A_475, %scan3A_474 : i32
      %get3A = arith.index_cast %add3A_476 : i32 to index
      %get3A_477 = arith.constant 0 : index
      %get3A_478 = tpu.vector_load %arg7[%get3A, %get3A_477] {strides = array<i32>} : memref<64x128xf32, #tpu.memory_space<vmem>>, vector<1x16xf32>,
      %get3A_479 = vector.shape_cast %get3A_478 : vector<1x16xf32> to vector<16xf32>
      %get3A_480 = arith.index_cast %add3A_476 : i32 to index
      %get3A_481 = arith.constant 16 : index
      %get3A_482 = tpu.vector_load %arg7[%get3A_480, %get3A_481] {strides = array<i32>} : memref<64x128xf32, #tpu.memory_space<vmem>>, vector<1x16xf32>,
      %get3A_483 = vector.shape_cast %get3A_482 : vector<1x16xf32> to vector<16xf32>
      %get3A_484 = arith.index_cast %add3A_476 : i32 to index
      %get3A_485 = arith.constant 32 : index
      %get3A_486 = tpu.vector_load %arg7[%get3A_484, %get3A_485] {strides = array<i32>} : memref<64x128xf32, #tpu.memory_space<vmem>>, vector<1x16xf32>,
      %get3A_487 = vector.shape_cast %get3A_486 : vector<1x16xf32> to vector<16xf32>
      %get3A_488 = arith.index_cast %add3A_476 : i32 to index
      %get3A_489 = arith.constant 48 : index
      %get3A_490 = tpu.vector_load %arg7[%get3A_488, %get3A_489] {strides = array<i32>} : memref<64x128xf32, #tpu.memory_space<vmem>>, vector<1x16xf32>,
      %get3A_491 = vector.shape_cast %get3A_490 : vector<1x16xf32> to vector<16xf32>
      %get3A_492 = arith.index_cast %add3A_476 : i32 to index
      %get3A_493 = arith.constant 64 : index
      %get3A_494 = tpu.vector_load %arg7[%get3A_492, %get3A_493] {strides = array<i32>} : memref<64x128xf32, #tpu.memory_space<vmem>>, vector<1x16xf32>,
      %get3A_495 = vector.shape_cast %get3A_494 : vector<1x16xf32> to vector<16xf32>
      %get3A_496 = arith.index_cast %add3A_476 : i32 to index
      %get3A_497 = arith.constant 80 : index
      %get3A_498 = tpu.vector_load %arg7[%get3A_496, %get3A_497] {strides = array<i32>} : memref<64x128xf32, #tpu.memory_space<vmem>>, vector<1x16xf32>,
      %get3A_499 = vector.shape_cast %get3A_498 : vector<1x16xf32> to vector<16xf32>
      %get3A_500 = arith.index_cast %add3A_476 : i32 to index
      %get3A_501 = arith.constant 96 : index
      %get3A_502 = tpu.vector_load %arg7[%get3A_500, %get3A_501] {strides = array<i32>} : memref<64x128xf32, #tpu.memory_space<vmem>>, vector<1x16xf32>,
      %get3A_503 = vector.shape_cast %get3A_502 : vector<1x16xf32> to vector<16xf32>
      %get3A_504 = arith.index_cast %add3A_476 : i32 to index
      %get3A_505 = arith.constant 112 : index
      %get3A_506 = tpu.vector_load %arg7[%get3A_504, %get3A_505] {strides = array<i32>} : memref<64x128xf32, #tpu.memory_space<vmem>>, vector<1x16xf32>,
      %get3A_507 = vector.shape_cast %get3A_506 : vector<1x16xf32> to vector<16xf32>
      %add3A_508 = arith.constant 0 : i32
      %add3A_509 = arith.addi %add3A_508, %add3A_476 : i32
      %swap3A = arith.index_cast %add3A_509 : i32 to index
      %swap3A_510 = arith.constant 0 : index
      %swap3A_511 = tpu.vector_load %arg8[%swap3A, %swap3A_510] {strides = array<i32>} : memref<256x128xf32, #tpu.memory_space<vmem>>, vector<1x16xf32>,
      %swap3A_512 = vector.shape_cast %swap3A_511 : vector<1x16xf32> to vector<16xf32>
      %swap3A_513 = vector.shape_cast %get3A_479 : vector<16xf32> to vector<1x16xf32>
      tpu.vector_store %arg8[%swap3A, %swap3A_510], %swap3A_513 {strides = array<i32>} : memref<256x128xf32, #tpu.memory_space<vmem>>, vector<1x16xf32>,
      %swap3A_514 = arith.index_cast %add3A_509 : i32 to index
      %swap3A_515 = arith.constant 16 : index
      %swap3A_516 = tpu.vector_load %arg8[%swap3A_514, %swap3A_515] {strides = array<i32>} : memref<256x128xf32, #tpu.memory_space<vmem>>, vector<1x16xf32>,
      %swap3A_517 = vector.shape_cast %swap3A_516 : vector<1x16xf32> to vector<16xf32>
      %swap3A_518 = vector.shape_cast %get3A_483 : vector<16xf32> to vector<1x16xf32>
      tpu.vector_store %arg8[%swap3A_514, %swap3A_515], %swap3A_518 {strides = array<i32>} : memref<256x128xf32, #tpu.memory_space<vmem>>, vector<1x16xf32>,
      %swap3A_519 = arith.index_cast %add3A_509 : i32 to index
      %swap3A_520 = arith.constant 32 : index
      %swap3A_521 = tpu.vector_load %arg8[%swap3A_519, %swap3A_520] {strides = array<i32>} : memref<256x128xf32, #tpu.memory_space<vmem>>, vector<1x16xf32>,
      %swap3A_522 = vector.shape_cast %swap3A_521 : vector<1x16xf32> to vector<16xf32>
      %swap3A_523 = vector.shape_cast %get3A_487 : vector<16xf32> to vector<1x16xf32>
      tpu.vector_store %arg8[%swap3A_519, %swap3A_520], %swap3A_523 {strides = array<i32>} : memref<256x128xf32, #tpu.memory_space<vmem>>, vector<1x16xf32>,
      %swap3A_524 = arith.index_cast %add3A_509 : i32 to index
      %swap3A_525 = arith.constant 48 : index
      %swap3A_526 = tpu.vector_load %arg8[%swap3A_524, %swap3A_525] {strides = array<i32>} : memref<256x128xf32, #tpu.memory_space<vmem>>, vector<1x16xf32>,
      %swap3A_527 = vector.shape_cast %swap3A_526 : vector<1x16xf32> to vector<16xf32>
      %swap3A_528 = vector.shape_cast %get3A_491 : vector<16xf32> to vector<1x16xf32>
      tpu.vector_store %arg8[%swap3A_524, %swap3A_525], %swap3A_528 {strides = array<i32>} : memref<256x128xf32, #tpu.memory_space<vmem>>, vector<1x16xf32>,
      %swap3A_529 = arith.index_cast %add3A_509 : i32 to index
      %swap3A_530 = arith.constant 64 : index
      %swap3A_531 = tpu.vector_load %arg8[%swap3A_529, %swap3A_530] {strides = array<i32>} : memref<256x128xf32, #tpu.memory_space<vmem>>, vector<1x16xf32>,
      %swap3A_532 = vector.shape_cast %swap3A_531 : vector<1x16xf32> to vector<16xf32>
      %swap3A_533 = vector.shape_cast %get3A_495 : vector<16xf32> to vector<1x16xf32>
      tpu.vector_store %arg8[%swap3A_529, %swap3A_530], %swap3A_533 {strides = array<i32>} : memref<256x128xf32, #tpu.memory_space<vmem>>, vector<1x16xf32>,
      %swap3A_534 = arith.index_cast %add3A_509 : i32 to index
      %swap3A_535 = arith.constant 80 : index
      %swap3A_536 = tpu.vector_load %arg8[%swap3A_534, %swap3A_535] {strides = array<i32>} : memref<256x128xf32, #tpu.memory_space<vmem>>, vector<1x16xf32>,
      %swap3A_537 = vector.shape_cast %swap3A_536 : vector<1x16xf32> to vector<16xf32>
      %swap3A_538 = vector.shape_cast %get3A_499 : vector<16xf32> to vector<1x16xf32>
      tpu.vector_store %arg8[%swap3A_534, %swap3A_535], %swap3A_538 {strides = array<i32>} : memref<256x128xf32, #tpu.memory_space<vmem>>, vector<1x16xf32>,
      %swap3A_539 = arith.index_cast %add3A_509 : i32 to index
      %swap3A_540 = arith.constant 96 : index
      %swap3A_541 = tpu.vector_load %arg8[%swap3A_539, %swap3A_540] {strides = array<i32>} : memref<256x128xf32, #tpu.memory_space<vmem>>, vector<1x16xf32>,
      %swap3A_542 = vector.shape_cast %swap3A_541 : vector<1x16xf32> to vector<16xf32>
      %swap3A_543 = vector.shape_cast %get3A_503 : vector<16xf32> to vector<1x16xf32>
      tpu.vector_store %arg8[%swap3A_539, %swap3A_540], %swap3A_543 {strides = array<i32>} : memref<256x128xf32, #tpu.memory_space<vmem>>, vector<1x16xf32>,
      %swap3A_544 = arith.index_cast %add3A_509 : i32 to index
      %swap3A_545 = arith.constant 112 : index
      %swap3A_546 = tpu.vector_load %arg8[%swap3A_544, %swap3A_545] {strides = array<i32>} : memref<256x128xf32, #tpu.memory_space<vmem>>, vector<1x16xf32>,
      %swap3A_547 = vector.shape_cast %swap3A_546 : vector<1x16xf32> to vector<16xf32>
      %swap3A_548 = vector.shape_cast %get3A_507 : vector<16xf32> to vector<1x16xf32>
      tpu.vector_store %arg8[%swap3A_544, %swap3A_545], %swap3A_548 {strides = array<i32>} : memref<256x128xf32, #tpu.memory_space<vmem>>, vector<1x16xf32>,
      %add3A_549 = arith.constant 64 : i32
      %add3A_550 = arith.addi %add3A_549, %add3A_476 : i32
      %swap3A_551 = arith.index_cast %add3A_550 : i32 to index
      %swap3A_552 = arith.constant 0 : index
      %swap3A_553 = tpu.vector_load %arg8[%swap3A_551, %swap3A_552] {strides = array<i32>} : memref<256x128xf32, #tpu.memory_space<vmem>>, vector<1x16xf32>,
      %swap3A_554 = vector.shape_cast %swap3A_553 : vector<1x16xf32> to vector<16xf32>
      %swap3A_555 = vector.shape_cast %get3A_479 : vector<16xf32> to vector<1x16xf32>
      tpu.vector_store %arg8[%swap3A_551, %swap3A_552], %swap3A_555 {strides = array<i32>} : memref<256x128xf32, #tpu.memory_space<vmem>>, vector<1x16xf32>,
      %swap3A_556 = arith.index_cast %add3A_550 : i32 to index
      %swap3A_557 = arith.constant 16 : index
      %swap3A_558 = tpu.vector_load %arg8[%swap3A_556, %swap3A_557] {strides = array<i32>} : memref<256x128xf32, #tpu.memory_space<vmem>>, vector<1x16xf32>,
      %swap3A_559 = vector.shape_cast %swap3A_558 : vector<1x16xf32> to vector<16xf32>
      %swap3A_560 = vector.shape_cast %get3A_483 : vector<16xf32> to vector<1x16xf32>
      tpu.vector_store %arg8[%swap3A_556, %swap3A_557], %swap3A_560 {strides = array<i32>} : memref<256x128xf32, #tpu.memory_space<vmem>>, vector<1x16xf32>,
      %swap3A_561 = arith.index_cast %add3A_550 : i32 to index
      %swap3A_562 = arith.constant 32 : index
      %swap3A_563 = tpu.vector_load %arg8[%swap3A_561, %swap3A_562] {strides = array<i32>} : memref<256x128xf32, #tpu.memory_space<vmem>>, vector<1x16xf32>,
      %swap3A_564 = vector.shape_cast %swap3A_563 : vector<1x16xf32> to vector<16xf32>
      %swap3A_565 = vector.shape_cast %get3A_487 : vector<16xf32> to vector<1x16xf32>
      tpu.vector_store %arg8[%swap3A_561, %swap3A_562], %swap3A_565 {strides = array<i32>} : memref<256x128xf32, #tpu.memory_space<vmem>>, vector<1x16xf32>,
      %swap3A_566 = arith.index_cast %add3A_550 : i32 to index
      %swap3A_567 = arith.constant 48 : index
      %swap3A_568 = tpu.vector_load %arg8[%swap3A_566, %swap3A_567] {strides = array<i32>} : memref<256x128xf32, #tpu.memory_space<vmem>>, vector<1x16xf32>,
      %swap3A_569 = vector.shape_cast %swap3A_568 : vector<1x16xf32> to vector<16xf32>
      %swap3A_570 = vector.shape_cast %get3A_491 : vector<16xf32> to vector<1x16xf32>
      tpu.vector_store %arg8[%swap3A_566, %swap3A_567], %swap3A_570 {strides = array<i32>} : memref<256x128xf32, #tpu.memory_space<vmem>>, vector<1x16xf32>,
      %swap3A_571 = arith.index_cast %add3A_550 : i32 to index
      %swap3A_572 = arith.constant 64 : index
      %swap3A_573 = tpu.vector_load %arg8[%swap3A_571, %swap3A_572] {strides = array<i32>} : memref<256x128xf32, #tpu.memory_space<vmem>>, vector<1x16xf32>,
      %swap3A_574 = vector.shape_cast %swap3A_573 : vector<1x16xf32> to vector<16xf32>
      %swap3A_575 = vector.shape_cast %get3A_495 : vector<16xf32> to vector<1x16xf32>
      tpu.vector_store %arg8[%swap3A_571, %swap3A_572], %swap3A_575 {strides = array<i32>} : memref<256x128xf32, #tpu.memory_space<vmem>>, vector<1x16xf32>,
      %swap3A_576 = arith.index_cast %add3A_550 : i32 to index
      %swap3A_577 = arith.constant 80 : index
      %swap3A_578 = tpu.vector_load %arg8[%swap3A_576, %swap3A_577] {strides = array<i32>} : memref<256x128xf32, #tpu.memory_space<vmem>>, vector<1x16xf32>,
      %swap3A_579 = vector.shape_cast %swap3A_578 : vector<1x16xf32> to vector<16xf32>
      %swap3A_580 = vector.shape_cast %get3A_499 : vector<16xf32> to vector<1x16xf32>
      tpu.vector_store %arg8[%swap3A_576, %swap3A_577], %swap3A_580 {strides = array<i32>} : memref<256x128xf32, #tpu.memory_space<vmem>>, vector<1x16xf32>,
      %swap3A_581 = arith.index_cast %add3A_550 : i32 to index
      %swap3A_582 = arith.constant 96 : index
      %swap3A_583 = tpu.vector_load %arg8[%swap3A_581, %swap3A_582] {strides = array<i32>} : memref<256x128xf32, #tpu.memory_space<vmem>>, vector<1x16xf32>,
      %swap3A_584 = vector.shape_cast %swap3A_583 : vector<1x16xf32> to vector<16xf32>
      %swap3A_585 = vector.shape_cast %get3A_503 : vector<16xf32> to vector<1x16xf32>
      tpu.vector_store %arg8[%swap3A_581, %swap3A_582], %swap3A_585 {strides = array<i32>} : memref<256x128xf32, #tpu.memory_space<vmem>>, vector<1x16xf32>,
      %swap3A_586 = arith.index_cast %add3A_550 : i32 to index
      %swap3A_587 = arith.constant 112 : index
      %swap3A_588 = tpu.vector_load %arg8[%swap3A_586, %swap3A_587] {strides = array<i32>} : memref<256x128xf32, #tpu.memory_space<vmem>>, vector<1x16xf32>,
      %swap3A_589 = vector.shape_cast %swap3A_588 : vector<1x16xf32> to vector<16xf32>
      %swap3A_590 = vector.shape_cast %get3A_507 : vector<16xf32> to vector<1x16xf32>
      tpu.vector_store %arg8[%swap3A_586, %swap3A_587], %swap3A_590 {strides = array<i32>} : memref<256x128xf32, #tpu.memory_space<vmem>>, vector<1x16xf32>,
      %add3A_591 = arith.constant 128 : i32
      %add3A_592 = arith.addi %add3A_591, %add3A_476 : i32
      %swap3A_593 = arith.index_cast %add3A_592 : i32 to index
      %swap3A_594 = arith.constant 0 : index
      %swap3A_595 = tpu.vector_load %arg8[%swap3A_593, %swap3A_594] {strides = array<i32>} : memref<256x128xf32, #tpu.memory_space<vmem>>, vector<1x16xf32>,
      %swap3A_596 = vector.shape_cast %swap3A_595 : vector<1x16xf32> to vector<16xf32>
      %swap3A_597 = vector.shape_cast %get3A_479 : vector<16xf32> to vector<1x16xf32>
      tpu.vector_store %arg8[%swap3A_593, %swap3A_594], %swap3A_597 {strides = array<i32>} : memref<256x128xf32, #tpu.memory_space<vmem>>, vector<1x16xf32>,
      %swap3A_598 = arith.index_cast %add3A_592 : i32 to index
      %swap3A_599 = arith.constant 16 : index
      %swap3A_600 = tpu.vector_load %arg8[%swap3A_598, %swap3A_599] {strides = array<i32>} : memref<256x128xf32, #tpu.memory_space<vmem>>, vector<1x16xf32>,
      %swap3A_601 = vector.shape_cast %swap3A_600 : vector<1x16xf32> to vector<16xf32>
      %swap3A_602 = vector.shape_cast %get3A_483 : vector<16xf32> to vector<1x16xf32>
      tpu.vector_store %arg8[%swap3A_598, %swap3A_599], %swap3A_602 {strides = array<i32>} : memref<256x128xf32, #tpu.memory_space<vmem>>, vector<1x16xf32>,
      %swap3A_603 = arith.index_cast %add3A_592 : i32 to index
      %swap3A_604 = arith.constant 32 : index
      %swap3A_605 = tpu.vector_load %arg8[%swap3A_603, %swap3A_604] {strides = array<i32>} : memref<256x128xf32, #tpu.memory_space<vmem>>, vector<1x16xf32>,
      %swap3A_606 = vector.shape_cast %swap3A_605 : vector<1x16xf32> to vector<16xf32>
      %swap3A_607 = vector.shape_cast %get3A_487 : vector<16xf32> to vector<1x16xf32>
      tpu.vector_store %arg8[%swap3A_603, %swap3A_604], %swap3A_607 {strides = array<i32>} : memref<256x128xf32, #tpu.memory_space<vmem>>, vector<1x16xf32>,
      %swap3A_608 = arith.index_cast %add3A_592 : i32 to index
      %swap3A_609 = arith.constant 48 : index
      %swap3A_610 = tpu.vector_load %arg8[%swap3A_608, %swap3A_609] {strides = array<i32>} : memref<256x128xf32, #tpu.memory_space<vmem>>, vector<1x16xf32>,
      %swap3A_611 = vector.shape_cast %swap3A_610 : vector<1x16xf32> to vector<16xf32>
      %swap3A_612 = vector.shape_cast %get3A_491 : vector<16xf32> to vector<1x16xf32>
      tpu.vector_store %arg8[%swap3A_608, %swap3A_609], %swap3A_612 {strides = array<i32>} : memref<256x128xf32, #tpu.memory_space<vmem>>, vector<1x16xf32>,
      %swap3A_613 = arith.index_cast %add3A_592 : i32 to index
      %swap3A_614 = arith.constant 64 : index
      %swap3A_615 = tpu.vector_load %arg8[%swap3A_613, %swap3A_614] {strides = array<i32>} : memref<256x128xf32, #tpu.memory_space<vmem>>, vector<1x16xf32>,
      %swap3A_616 = vector.shape_cast %swap3A_615 : vector<1x16xf32> to vector<16xf32>
      %swap3A_617 = vector.shape_cast %get3A_495 : vector<16xf32> to vector<1x16xf32>
      tpu.vector_store %arg8[%swap3A_613, %swap3A_614], %swap3A_617 {strides = array<i32>} : memref<256x128xf32, #tpu.memory_space<vmem>>, vector<1x16xf32>,
      %swap3A_618 = arith.index_cast %add3A_592 : i32 to index
      %swap3A_619 = arith.constant 80 : index
      %swap3A_620 = tpu.vector_load %arg8[%swap3A_618, %swap3A_619] {strides = array<i32>} : memref<256x128xf32, #tpu.memory_space<vmem>>, vector<1x16xf32>,
      %swap3A_621 = vector.shape_cast %swap3A_620 : vector<1x16xf32> to vector<16xf32>
      %swap3A_622 = vector.shape_cast %get3A_499 : vector<16xf32> to vector<1x16xf32>
      tpu.vector_store %arg8[%swap3A_618, %swap3A_619], %swap3A_622 {strides = array<i32>} : memref<256x128xf32, #tpu.memory_space<vmem>>, vector<1x16xf32>,
      %swap3A_623 = arith.index_cast %add3A_592 : i32 to index
      %swap3A_624 = arith.constant 96 : index
      %swap3A_625 = tpu.vector_load %arg8[%swap3A_623, %swap3A_624] {strides = array<i32>} : memref<256x128xf32, #tpu.memory_space<vmem>>, vector<1x16xf32>,
      %swap3A_626 = vector.shape_cast %swap3A_625 : vector<1x16xf32> to vector<16xf32>
      %swap3A_627 = vector.shape_cast %get3A_503 : vector<16xf32> to vector<1x16xf32>
      tpu.vector_store %arg8[%swap3A_623, %swap3A_624], %swap3A_627 {strides = array<i32>} : memref<256x128xf32, #tpu.memory_space<vmem>>, vector<1x16xf32>,
      %swap3A_628 = arith.index_cast %add3A_592 : i32 to index
      %swap3A_629 = arith.constant 112 : index
      %swap3A_630 = tpu.vector_load %arg8[%swap3A_628, %swap3A_629] {strides = array<i32>} : memref<256x128xf32, #tpu.memory_space<vmem>>, vector<1x16xf32>,
      %swap3A_631 = vector.shape_cast %swap3A_630 : vector<1x16xf32> to vector<16xf32>
      %swap3A_632 = vector.shape_cast %get3A_507 : vector<16xf32> to vector<1x16xf32>
      tpu.vector_store %arg8[%swap3A_628, %swap3A_629], %swap3A_632 {strides = array<i32>} : memref<256x128xf32, #tpu.memory_space<vmem>>, vector<1x16xf32>,
      %add3A_633 = arith.constant 192 : i32
      %add3A_634 = arith.addi %add3A_633, %add3A_476 : i32
      %swap3A_635 = arith.index_cast %add3A_634 : i32 to index
      %swap3A_636 = arith.constant 0 : index
      %swap3A_637 = tpu.vector_load %arg8[%swap3A_635, %swap3A_636] {strides = array<i32>} : memref<256x128xf32, #tpu.memory_space<vmem>>, vector<1x16xf32>,
      %swap3A_638 = vector.shape_cast %swap3A_637 : vector<1x16xf32> to vector<16xf32>
      %swap3A_639 = vector.shape_cast %get3A_479 : vector<16xf32> to vector<1x16xf32>
      tpu.vector_store %arg8[%swap3A_635, %swap3A_636], %swap3A_639 {strides = array<i32>} : memref<256x128xf32, #tpu.memory_space<vmem>>, vector<1x16xf32>,
      %swap3A_640 = arith.index_cast %add3A_634 : i32 to index
      %swap3A_641 = arith.constant 16 : index
      %swap3A_642 = tpu.vector_load %arg8[%swap3A_640, %swap3A_641] {strides = array<i32>} : memref<256x128xf32, #tpu.memory_space<vmem>>, vector<1x16xf32>,
      %swap3A_643 = vector.shape_cast %swap3A_642 : vector<1x16xf32> to vector<16xf32>
      %swap3A_644 = vector.shape_cast %get3A_483 : vector<16xf32> to vector<1x16xf32>
      tpu.vector_store %arg8[%swap3A_640, %swap3A_641], %swap3A_644 {strides = array<i32>} : memref<256x128xf32, #tpu.memory_space<vmem>>, vector<1x16xf32>,
      %swap3A_645 = arith.index_cast %add3A_634 : i32 to index
      %swap3A_646 = arith.constant 32 : index
      %swap3A_647 = tpu.vector_load %arg8[%swap3A_645, %swap3A_646] {strides = array<i32>} : memref<256x128xf32, #tpu.memory_space<vmem>>, vector<1x16xf32>,
      %swap3A_648 = vector.shape_cast %swap3A_647 : vector<1x16xf32> to vector<16xf32>
      %swap3A_649 = vector.shape_cast %get3A_487 : vector<16xf32> to vector<1x16xf32>
      tpu.vector_store %arg8[%swap3A_645, %swap3A_646], %swap3A_649 {strides = array<i32>} : memref<256x128xf32, #tpu.memory_space<vmem>>, vector<1x16xf32>,
      %swap3A_650 = arith.index_cast %add3A_634 : i32 to index
      %swap3A_651 = arith.constant 48 : index
      %swap3A_652 = tpu.vector_load %arg8[%swap3A_650, %swap3A_651] {strides = array<i32>} : memref<256x128xf32, #tpu.memory_space<vmem>>, vector<1x16xf32>,
      %swap3A_653 = vector.shape_cast %swap3A_652 : vector<1x16xf32> to vector<16xf32>
      %swap3A_654 = vector.shape_cast %get3A_491 : vector<16xf32> to vector<1x16xf32>
      tpu.vector_store %arg8[%swap3A_650, %swap3A_651], %swap3A_654 {strides = array<i32>} : memref<256x128xf32, #tpu.memory_space<vmem>>, vector<1x16xf32>,
      %swap3A_655 = arith.index_cast %add3A_634 : i32 to index
      %swap3A_656 = arith.constant 64 : index
      %swap3A_657 = tpu.vector_load %arg8[%swap3A_655, %swap3A_656] {strides = array<i32>} : memref<256x128xf32, #tpu.memory_space<vmem>>, vector<1x16xf32>,
      %swap3A_658 = vector.shape_cast %swap3A_657 : vector<1x16xf32> to vector<16xf32>
      %swap3A_659 = vector.shape_cast %get3A_495 : vector<16xf32> to vector<1x16xf32>
      tpu.vector_store %arg8[%swap3A_655, %swap3A_656], %swap3A_659 {strides = array<i32>} : memref<256x128xf32, #tpu.memory_space<vmem>>, vector<1x16xf32>,
      %swap3A_660 = arith.index_cast %add3A_634 : i32 to index
      %swap3A_661 = arith.constant 80 : index
      %swap3A_662 = tpu.vector_load %arg8[%swap3A_660, %swap3A_661] {strides = array<i32>} : memref<256x128xf32, #tpu.memory_space<vmem>>, vector<1x16xf32>,
      %swap3A_663 = vector.shape_cast %swap3A_662 : vector<1x16xf32> to vector<16xf32>
      %swap3A_664 = vector.shape_cast %get3A_499 : vector<16xf32> to vector<1x16xf32>
      tpu.vector_store %arg8[%swap3A_660, %swap3A_661], %swap3A_664 {strides = array<i32>} : memref<256x128xf32, #tpu.memory_space<vmem>>, vector<1x16xf32>,
      %swap3A_665 = arith.index_cast %add3A_634 : i32 to index
      %swap3A_666 = arith.constant 96 : index
      %swap3A_667 = tpu.vector_load %arg8[%swap3A_665, %swap3A_666] {strides = array<i32>} : memref<256x128xf32, #tpu.memory_space<vmem>>, vector<1x16xf32>,
      %swap3A_668 = vector.shape_cast %swap3A_667 : vector<1x16xf32> to vector<16xf32>
      %swap3A_669 = vector.shape_cast %get3A_503 : vector<16xf32> to vector<1x16xf32>
      tpu.vector_store %arg8[%swap3A_665, %swap3A_666], %swap3A_669 {strides = array<i32>} : memref<256x128xf32, #tpu.memory_space<vmem>>, vector<1x16xf32>,
      %swap3A_670 = arith.index_cast %add3A_634 : i32 to index
      %swap3A_671 = arith.constant 112 : index
      %swap3A_672 = tpu.vector_load %arg8[%swap3A_670, %swap3A_671] {strides = array<i32>} : memref<256x128xf32, #tpu.memory_space<vmem>>, vector<1x16xf32>,
      %swap3A_673 = vector.shape_cast %swap3A_672 : vector<1x16xf32> to vector<16xf32>
      %swap3A_674 = vector.shape_cast %get3A_507 : vector<16xf32> to vector<1x16xf32>
      tpu.vector_store %arg8[%swap3A_670, %swap3A_671], %swap3A_674 {strides = array<i32>} : memref<256x128xf32, #tpu.memory_space<vmem>>, vector<1x16xf32>,
    }
    %scan3A_53 = arith.constant 32 : i32
    %dma_start3A_54 = arith.constant 0 : i32
    %dma_start3A_55 = arith.constant 32 : i32
    %dma_start3A_56 = arith.constant 0 : i32
    %dma_start3A_57 = tpu.memref_slice %arg8[%dma_start3A_55, %dma_start3A_56] : memref<256x128xf32, #tpu.memory_space<vmem>> -> memref<32x128xf32, #tpu.memory_space<vmem>>
    %dma_start3A_58 = arith.constant 32 : i32
    %dma_start3A_59 = tpu.memref_slice %arg6[%dma_start3A_54, %dma_start3A_58] : memref<4x64xi32, #tpu.memory_space<vmem>> -> memref<1x32xi32, #tpu.memory_space<vmem>>
    %dma_start3A_60 = tpu.memref_squeeze %dma_start3A_59 : memref<1x32xi32, #tpu.memory_space<vmem>> -> memref<32xi32, #tpu.memory_space<vmem>>
    %dma_start3A_61 = arith.constant 0 : i32
    %dma_start3A_62 = arith.constant 0 : i32
    %dma_start3A_63 = tpu.memref_slice %arg3[%dma_start3A_61, %dma_start3A_62] : memref<100000x128xf32, #tpu.memory_space<hbm>> -> memref<100000x128xf32, #tpu.memory_space<hbm>>
    tpu.enqueue_indirect_dma source(%dma_start3A_63 : memref<100000x128xf32, #tpu.memory_space<hbm>>) target(%dma_start3A_57 : memref<32x128xf32, #tpu.memory_space<vmem>>) offsets(%dma_start3A_60 : memref<32xi32, #tpu.memory_space<vmem>>) semaphore(%arg14 : memref<!tpu.dma_semaphore, #tpu.memory_space<semaphore_mem>>) {add = true}
    %dma_start3A_64 = arith.constant 1 : i32
    %dma_start3A_65 = arith.constant 96 : i32
    %dma_start3A_66 = arith.constant 0 : i32
    %dma_start3A_67 = tpu.memref_slice %arg8[%dma_start3A_65, %dma_start3A_66] : memref<256x128xf32, #tpu.memory_space<vmem>> -> memref<32x128xf32, #tpu.memory_space<vmem>>
    %dma_start3A_68 = arith.constant 32 : i32
    %dma_start3A_69 = tpu.memref_slice %arg6[%dma_start3A_64, %dma_start3A_68] : memref<4x64xi32, #tpu.memory_space<vmem>> -> memref<1x32xi32, #tpu.memory_space<vmem>>
    %dma_start3A_70 = tpu.memref_squeeze %dma_start3A_69 : memref<1x32xi32, #tpu.memory_space<vmem>> -> memref<32xi32, #tpu.memory_space<vmem>>
    %dma_start3A_71 = arith.constant 0 : i32
    %dma_start3A_72 = arith.constant 0 : i32
    %dma_start3A_73 = tpu.memref_slice %arg3[%dma_start3A_71, %dma_start3A_72] : memref<100000x128xf32, #tpu.memory_space<hbm>> -> memref<100000x128xf32, #tpu.memory_space<hbm>>
    tpu.enqueue_indirect_dma source(%dma_start3A_73 : memref<100000x128xf32, #tpu.memory_space<hbm>>) target(%dma_start3A_67 : memref<32x128xf32, #tpu.memory_space<vmem>>) offsets(%dma_start3A_70 : memref<32xi32, #tpu.memory_space<vmem>>) semaphore(%arg15 : memref<!tpu.dma_semaphore, #tpu.memory_space<semaphore_mem>>) {add = true}
    %dma_start3A_74 = arith.constant 2 : i32
    %dma_start3A_75 = arith.constant 160 : i32
    %dma_start3A_76 = arith.constant 0 : i32
    %dma_start3A_77 = tpu.memref_slice %arg8[%dma_start3A_75, %dma_start3A_76] : memref<256x128xf32, #tpu.memory_space<vmem>> -> memref<32x128xf32, #tpu.memory_space<vmem>>
    %dma_start3A_78 = arith.constant 32 : i32
    %dma_start3A_79 = tpu.memref_slice %arg6[%dma_start3A_74, %dma_start3A_78] : memref<4x64xi32, #tpu.memory_space<vmem>> -> memref<1x32xi32, #tpu.memory_space<vmem>>
    %dma_start3A_80 = tpu.memref_squeeze %dma_start3A_79 : memref<1x32xi32, #tpu.memory_space<vmem>> -> memref<32xi32, #tpu.memory_space<vmem>>
    %dma_start3A_81 = arith.constant 0 : i32
    %dma_start3A_82 = arith.constant 0 : i32
    %dma_start3A_83 = tpu.memref_slice %arg3[%dma_start3A_81, %dma_start3A_82] : memref<100000x128xf32, #tpu.memory_space<hbm>> -> memref<100000x128xf32, #tpu.memory_space<hbm>>
    tpu.enqueue_indirect_dma source(%dma_start3A_83 : memref<100000x128xf32, #tpu.memory_space<hbm>>) target(%dma_start3A_77 : memref<32x128xf32, #tpu.memory_space<vmem>>) offsets(%dma_start3A_80 : memref<32xi32, #tpu.memory_space<vmem>>) semaphore(%arg16 : memref<!tpu.dma_semaphore, #tpu.memory_space<semaphore_mem>>) {add = true}
    %dma_start3A_84 = arith.constant 3 : i32
    %dma_start3A_85 = arith.constant 224 : i32
    %dma_start3A_86 = arith.constant 0 : i32
    %dma_start3A_87 = tpu.memref_slice %arg8[%dma_start3A_85, %dma_start3A_86] : memref<256x128xf32, #tpu.memory_space<vmem>> -> memref<32x128xf32, #tpu.memory_space<vmem>>
    %dma_start3A_88 = arith.constant 32 : i32
    %dma_start3A_89 = tpu.memref_slice %arg6[%dma_start3A_84, %dma_start3A_88] : memref<4x64xi32, #tpu.memory_space<vmem>> -> memref<1x32xi32, #tpu.memory_space<vmem>>
    %dma_start3A_90 = tpu.memref_squeeze %dma_start3A_89 : memref<1x32xi32, #tpu.memory_space<vmem>> -> memref<32xi32, #tpu.memory_space<vmem>>
    %dma_start3A_91 = arith.constant 0 : i32
    %dma_start3A_92 = arith.constant 0 : i32
    %dma_start3A_93 = tpu.memref_slice %arg3[%dma_start3A_91, %dma_start3A_92] : memref<100000x128xf32, #tpu.memory_space<hbm>> -> memref<100000x128xf32, #tpu.memory_space<hbm>>
    tpu.enqueue_indirect_dma source(%dma_start3A_93 : memref<100000x128xf32, #tpu.memory_space<hbm>>) target(%dma_start3A_87 : memref<32x128xf32, #tpu.memory_space<vmem>>) offsets(%dma_start3A_90 : memref<32xi32, #tpu.memory_space<vmem>>) semaphore(%arg17 : memref<!tpu.dma_semaphore, #tpu.memory_space<semaphore_mem>>) {add = true}
    %dma_wait3A_94 = arith.constant 0 : i32
    %dma_wait3A_95 = arith.constant 0 : i32
    %dma_wait3A_96 = arith.constant 0 : i32
    %dma_wait3A_97 = tpu.memref_slice %arg8[%dma_wait3A_95, %dma_wait3A_96] : memref<256x128xf32, #tpu.memory_space<vmem>> -> memref<32x128xf32, #tpu.memory_space<vmem>>
    %dma_wait3A_98 = arith.constant 0 : i32
    %dma_wait3A_99 = tpu.memref_slice %arg6[%dma_wait3A_94, %dma_wait3A_98] : memref<4x64xi32, #tpu.memory_space<vmem>> -> memref<1x32xi32, #tpu.memory_space<vmem>>
    %dma_wait3A_100 = tpu.memref_squeeze %dma_wait3A_99 : memref<1x32xi32, #tpu.memory_space<vmem>> -> memref<32xi32, #tpu.memory_space<vmem>>
    %dma_wait3A_101 = arith.constant 0 : i32
    %dma_wait3A_102 = arith.constant 0 : i32
    %dma_wait3A_103 = tpu.memref_slice %arg3[%dma_wait3A_101, %dma_wait3A_102] : memref<100000x128xf32, #tpu.memory_space<hbm>> -> memref<100000x128xf32, #tpu.memory_space<hbm>>
    tpu.wait_indirect_dma semaphore(%arg10 : memref<!tpu.dma_semaphore, #tpu.memory_space<semaphore_mem>>) src(%dma_wait3A_103 : memref<100000x128xf32, #tpu.memory_space<hbm>>) dst(%dma_wait3A_97 : memref<32x128xf32, #tpu.memory_space<vmem>>)
    %dma_wait3A_104 = arith.constant 1 : i32
    %dma_wait3A_105 = arith.constant 64 : i32
    %dma_wait3A_106 = arith.constant 0 : i32
    %dma_wait3A_107 = tpu.memref_slice %arg8[%dma_wait3A_105, %dma_wait3A_106] : memref<256x128xf32, #tpu.memory_space<vmem>> -> memref<32x128xf32, #tpu.memory_space<vmem>>
    %dma_wait3A_108 = arith.constant 0 : i32
    %dma_wait3A_109 = tpu.memref_slice %arg6[%dma_wait3A_104, %dma_wait3A_108] : memref<4x64xi32, #tpu.memory_space<vmem>> -> memref<1x32xi32, #tpu.memory_space<vmem>>
    %dma_wait3A_110 = tpu.memref_squeeze %dma_wait3A_109 : memref<1x32xi32, #tpu.memory_space<vmem>> -> memref<32xi32, #tpu.memory_space<vmem>>
    %dma_wait3A_111 = arith.constant 0 : i32
    %dma_wait3A_112 = arith.constant 0 : i32
    %dma_wait3A_113 = tpu.memref_slice %arg3[%dma_wait3A_111, %dma_wait3A_112] : memref<100000x128xf32, #tpu.memory_space<hbm>> -> memref<100000x128xf32, #tpu.memory_space<hbm>>
    tpu.wait_indirect_dma semaphore(%arg11 : memref<!tpu.dma_semaphore, #tpu.memory_space<semaphore_mem>>) src(%dma_wait3A_113 : memref<100000x128xf32, #tpu.memory_space<hbm>>) dst(%dma_wait3A_107 : memref<32x128xf32, #tpu.memory_space<vmem>>)
    %dma_wait3A_114 = arith.constant 2 : i32
    %dma_wait3A_115 = arith.constant 128 : i32
    %dma_wait3A_116 = arith.constant 0 : i32
    %dma_wait3A_117 = tpu.memref_slice %arg8[%dma_wait3A_115, %dma_wait3A_116] : memref<256x128xf32, #tpu.memory_space<vmem>> -> memref<32x128xf32, #tpu.memory_space<vmem>>
    %dma_wait3A_118 = arith.constant 0 : i32
    %dma_wait3A_119 = tpu.memref_slice %arg6[%dma_wait3A_114, %dma_wait3A_118] : memref<4x64xi32, #tpu.memory_space<vmem>> -> memref<1x32xi32, #tpu.memory_space<vmem>>
    %dma_wait3A_120 = tpu.memref_squeeze %dma_wait3A_119 : memref<1x32xi32, #tpu.memory_space<vmem>> -> memref<32xi32, #tpu.memory_space<vmem>>
    %dma_wait3A_121 = arith.constant 0 : i32
    %dma_wait3A_122 = arith.constant 0 : i32
    %dma_wait3A_123 = tpu.memref_slice %arg3[%dma_wait3A_121, %dma_wait3A_122] : memref<100000x128xf32, #tpu.memory_space<hbm>> -> memref<100000x128xf32, #tpu.memory_space<hbm>>
    tpu.wait_indirect_dma semaphore(%arg12 : memref<!tpu.dma_semaphore, #tpu.memory_space<semaphore_mem>>) src(%dma_wait3A_123 : memref<100000x128xf32, #tpu.memory_space<hbm>>) dst(%dma_wait3A_117 : memref<32x128xf32, #tpu.memory_space<vmem>>)
    %dma_wait3A_124 = arith.constant 3 : i32
    %dma_wait3A_125 = arith.constant 192 : i32
    %dma_wait3A_126 = arith.constant 0 : i32
    %dma_wait3A_127 = tpu.memref_slice %arg8[%dma_wait3A_125, %dma_wait3A_126] : memref<256x128xf32, #tpu.memory_space<vmem>> -> memref<32x128xf32, #tpu.memory_space<vmem>>
    %dma_wait3A_128 = arith.constant 0 : i32
    %dma_wait3A_129 = tpu.memref_slice %arg6[%dma_wait3A_124, %dma_wait3A_128] : memref<4x64xi32, #tpu.memory_space<vmem>> -> memref<1x32xi32, #tpu.memory_space<vmem>>
    %dma_wait3A_130 = tpu.memref_squeeze %dma_wait3A_129 : memref<1x32xi32, #tpu.memory_space<vmem>> -> memref<32xi32, #tpu.memory_space<vmem>>
    %dma_wait3A_131 = arith.constant 0 : i32
    %dma_wait3A_132 = arith.constant 0 : i32
    %dma_wait3A_133 = tpu.memref_slice %arg3[%dma_wait3A_131, %dma_wait3A_132] : memref<100000x128xf32, #tpu.memory_space<hbm>> -> memref<100000x128xf32, #tpu.memory_space<hbm>>
    tpu.wait_indirect_dma semaphore(%arg13 : memref<!tpu.dma_semaphore, #tpu.memory_space<semaphore_mem>>) src(%dma_wait3A_133 : memref<100000x128xf32, #tpu.memory_space<hbm>>) dst(%dma_wait3A_127 : memref<32x128xf32, #tpu.memory_space<vmem>>)
    %scan3A_134 = arith.constant 0 : i32
    %scan3A_135 = arith.constant 0 : i32
    %scan3A_136 = arith.constant 16 : i32
    %scan3A_137 = arith.addi %scan3A_135, %scan3A_136 : i32
    %scan3A_138 = arith.constant 1 : i32
    scf.for %scan3A_474 = %scan3A_135 to %scan3A_137 step %scan3A_138  : i32 {
      %get3A = arith.index_cast %scan3A_474 : i32 to index
      %get3A_475 = arith.constant 0 : index
      %get3A_476 = tpu.vector_load %arg7[%get3A, %get3A_475] {strides = array<i32>} : memref<64x128xf32, #tpu.memory_space<vmem>>, vector<1x16xf32>,
      %get3A_477 = vector.shape_cast %get3A_476 : vector<1x16xf32> to vector<16xf32>
      %get3A_478 = arith.index_cast %scan3A_474 : i32 to index
      %get3A_479 = arith.constant 16 : index
      %get3A_480 = tpu.vector_load %arg7[%get3A_478, %get3A_479] {strides = array<i32>} : memref<64x128xf32, #tpu.memory_space<vmem>>, vector<1x16xf32>,
      %get3A_481 = vector.shape_cast %get3A_480 : vector<1x16xf32> to vector<16xf32>
      %get3A_482 = arith.index_cast %scan3A_474 : i32 to index
      %get3A_483 = arith.constant 32 : index
      %get3A_484 = tpu.vector_load %arg7[%get3A_482, %get3A_483] {strides = array<i32>} : memref<64x128xf32, #tpu.memory_space<vmem>>, vector<1x16xf32>,
      %get3A_485 = vector.shape_cast %get3A_484 : vector<1x16xf32> to vector<16xf32>
      %get3A_486 = arith.index_cast %scan3A_474 : i32 to index
      %get3A_487 = arith.constant 48 : index
      %get3A_488 = tpu.vector_load %arg7[%get3A_486, %get3A_487] {strides = array<i32>} : memref<64x128xf32, #tpu.memory_space<vmem>>, vector<1x16xf32>,
      %get3A_489 = vector.shape_cast %get3A_488 : vector<1x16xf32> to vector<16xf32>
      %get3A_490 = arith.index_cast %scan3A_474 : i32 to index
      %get3A_491 = arith.constant 64 : index
      %get3A_492 = tpu.vector_load %arg7[%get3A_490, %get3A_491] {strides = array<i32>} : memref<64x128xf32, #tpu.memory_space<vmem>>, vector<1x16xf32>,
      %get3A_493 = vector.shape_cast %get3A_492 : vector<1x16xf32> to vector<16xf32>
      %get3A_494 = arith.index_cast %scan3A_474 : i32 to index
      %get3A_495 = arith.constant 80 : index
      %get3A_496 = tpu.vector_load %arg7[%get3A_494, %get3A_495] {strides = array<i32>} : memref<64x128xf32, #tpu.memory_space<vmem>>, vector<1x16xf32>,
      %get3A_497 = vector.shape_cast %get3A_496 : vector<1x16xf32> to vector<16xf32>
      %get3A_498 = arith.index_cast %scan3A_474 : i32 to index
      %get3A_499 = arith.constant 96 : index
      %get3A_500 = tpu.vector_load %arg7[%get3A_498, %get3A_499] {strides = array<i32>} : memref<64x128xf32, #tpu.memory_space<vmem>>, vector<1x16xf32>,
      %get3A_501 = vector.shape_cast %get3A_500 : vector<1x16xf32> to vector<16xf32>
      %get3A_502 = arith.index_cast %scan3A_474 : i32 to index
      %get3A_503 = arith.constant 112 : index
      %get3A_504 = tpu.vector_load %arg7[%get3A_502, %get3A_503] {strides = array<i32>} : memref<64x128xf32, #tpu.memory_space<vmem>>, vector<1x16xf32>,
      %get3A_505 = vector.shape_cast %get3A_504 : vector<1x16xf32> to vector<16xf32>
      %add3A_506 = arith.constant 0 : i32
      %add3A_507 = arith.addi %add3A_506, %scan3A_474 : i32
      %get3A_508 = arith.index_cast %add3A_507 : i32 to index
      %get3A_509 = arith.constant 0 : index
      %get3A_510 = tpu.vector_load %arg8[%get3A_508, %get3A_509] {strides = array<i32>} : memref<256x128xf32, #tpu.memory_space<vmem>>, vector<1x16xf32>,
      %get3A_511 = vector.shape_cast %get3A_510 : vector<1x16xf32> to vector<16xf32>
      %add3A_512 = arith.addf %get3A_511, %get3A_477 : vector<16xf32>
      %swap3A = arith.index_cast %add3A_507 : i32 to index
      %swap3A_513 = arith.constant 0 : index
      %swap3A_514 = tpu.vector_load %arg8[%swap3A, %swap3A_513] {strides = array<i32>} : memref<256x128xf32, #tpu.memory_space<vmem>>, vector<1x16xf32>,
      %swap3A_515 = vector.shape_cast %swap3A_514 : vector<1x16xf32> to vector<16xf32>
      %swap3A_516 = vector.shape_cast %add3A_512 : vector<16xf32> to vector<1x16xf32>
      tpu.vector_store %arg8[%swap3A, %swap3A_513], %swap3A_516 {strides = array<i32>} : memref<256x128xf32, #tpu.memory_space<vmem>>, vector<1x16xf32>,
      %get3A_517 = arith.index_cast %add3A_507 : i32 to index
      %get3A_518 = arith.constant 16 : index
      %get3A_519 = tpu.vector_load %arg8[%get3A_517, %get3A_518] {strides = array<i32>} : memref<256x128xf32, #tpu.memory_space<vmem>>, vector<1x16xf32>,
      %get3A_520 = vector.shape_cast %get3A_519 : vector<1x16xf32> to vector<16xf32>
      %add3A_521 = arith.addf %get3A_520, %get3A_481 : vector<16xf32>
      %swap3A_522 = arith.index_cast %add3A_507 : i32 to index
      %swap3A_523 = arith.constant 16 : index
      %swap3A_524 = tpu.vector_load %arg8[%swap3A_522, %swap3A_523] {strides = array<i32>} : memref<256x128xf32, #tpu.memory_space<vmem>>, vector<1x16xf32>,
      %swap3A_525 = vector.shape_cast %swap3A_524 : vector<1x16xf32> to vector<16xf32>
      %swap3A_526 = vector.shape_cast %add3A_521 : vector<16xf32> to vector<1x16xf32>
      tpu.vector_store %arg8[%swap3A_522, %swap3A_523], %swap3A_526 {strides = array<i32>} : memref<256x128xf32, #tpu.memory_space<vmem>>, vector<1x16xf32>,
      %get3A_527 = arith.index_cast %add3A_507 : i32 to index
      %get3A_528 = arith.constant 32 : index
      %get3A_529 = tpu.vector_load %arg8[%get3A_527, %get3A_528] {strides = array<i32>} : memref<256x128xf32, #tpu.memory_space<vmem>>, vector<1x16xf32>,
      %get3A_530 = vector.shape_cast %get3A_529 : vector<1x16xf32> to vector<16xf32>
      %add3A_531 = arith.addf %get3A_530, %get3A_485 : vector<16xf32>
      %swap3A_532 = arith.index_cast %add3A_507 : i32 to index
      %swap3A_533 = arith.constant 32 : index
      %swap3A_534 = tpu.vector_load %arg8[%swap3A_532, %swap3A_533] {strides = array<i32>} : memref<256x128xf32, #tpu.memory_space<vmem>>, vector<1x16xf32>,
      %swap3A_535 = vector.shape_cast %swap3A_534 : vector<1x16xf32> to vector<16xf32>
      %swap3A_536 = vector.shape_cast %add3A_531 : vector<16xf32> to vector<1x16xf32>
      tpu.vector_store %arg8[%swap3A_532, %swap3A_533], %swap3A_536 {strides = array<i32>} : memref<256x128xf32, #tpu.memory_space<vmem>>, vector<1x16xf32>,
      %get3A_537 = arith.index_cast %add3A_507 : i32 to index
      %get3A_538 = arith.constant 48 : index
      %get3A_539 = tpu.vector_load %arg8[%get3A_537, %get3A_538] {strides = array<i32>} : memref<256x128xf32, #tpu.memory_space<vmem>>, vector<1x16xf32>,
      %get3A_540 = vector.shape_cast %get3A_539 : vector<1x16xf32> to vector<16xf32>
      %add3A_541 = arith.addf %get3A_540, %get3A_489 : vector<16xf32>
      %swap3A_542 = arith.index_cast %add3A_507 : i32 to index
      %swap3A_543 = arith.constant 48 : index
      %swap3A_544 = tpu.vector_load %arg8[%swap3A_542, %swap3A_543] {strides = array<i32>} : memref<256x128xf32, #tpu.memory_space<vmem>>, vector<1x16xf32>,
      %swap3A_545 = vector.shape_cast %swap3A_544 : vector<1x16xf32> to vector<16xf32>
      %swap3A_546 = vector.shape_cast %add3A_541 : vector<16xf32> to vector<1x16xf32>
      tpu.vector_store %arg8[%swap3A_542, %swap3A_543], %swap3A_546 {strides = array<i32>} : memref<256x128xf32, #tpu.memory_space<vmem>>, vector<1x16xf32>,
      %get3A_547 = arith.index_cast %add3A_507 : i32 to index
      %get3A_548 = arith.constant 64 : index
      %get3A_549 = tpu.vector_load %arg8[%get3A_547, %get3A_548] {strides = array<i32>} : memref<256x128xf32, #tpu.memory_space<vmem>>, vector<1x16xf32>,
      %get3A_550 = vector.shape_cast %get3A_549 : vector<1x16xf32> to vector<16xf32>
      %add3A_551 = arith.addf %get3A_550, %get3A_493 : vector<16xf32>
      %swap3A_552 = arith.index_cast %add3A_507 : i32 to index
      %swap3A_553 = arith.constant 64 : index
      %swap3A_554 = tpu.vector_load %arg8[%swap3A_552, %swap3A_553] {strides = array<i32>} : memref<256x128xf32, #tpu.memory_space<vmem>>, vector<1x16xf32>,
      %swap3A_555 = vector.shape_cast %swap3A_554 : vector<1x16xf32> to vector<16xf32>
      %swap3A_556 = vector.shape_cast %add3A_551 : vector<16xf32> to vector<1x16xf32>
      tpu.vector_store %arg8[%swap3A_552, %swap3A_553], %swap3A_556 {strides = array<i32>} : memref<256x128xf32, #tpu.memory_space<vmem>>, vector<1x16xf32>,
      %get3A_557 = arith.index_cast %add3A_507 : i32 to index
      %get3A_558 = arith.constant 80 : index
      %get3A_559 = tpu.vector_load %arg8[%get3A_557, %get3A_558] {strides = array<i32>} : memref<256x128xf32, #tpu.memory_space<vmem>>, vector<1x16xf32>,
      %get3A_560 = vector.shape_cast %get3A_559 : vector<1x16xf32> to vector<16xf32>
      %add3A_561 = arith.addf %get3A_560, %get3A_497 : vector<16xf32>
      %swap3A_562 = arith.index_cast %add3A_507 : i32 to index
      %swap3A_563 = arith.constant 80 : index
      %swap3A_564 = tpu.vector_load %arg8[%swap3A_562, %swap3A_563] {strides = array<i32>} : memref<256x128xf32, #tpu.memory_space<vmem>>, vector<1x16xf32>,
      %swap3A_565 = vector.shape_cast %swap3A_564 : vector<1x16xf32> to vector<16xf32>
      %swap3A_566 = vector.shape_cast %add3A_561 : vector<16xf32> to vector<1x16xf32>
      tpu.vector_store %arg8[%swap3A_562, %swap3A_563], %swap3A_566 {strides = array<i32>} : memref<256x128xf32, #tpu.memory_space<vmem>>, vector<1x16xf32>,
      %get3A_567 = arith.index_cast %add3A_507 : i32 to index
      %get3A_568 = arith.constant 96 : index
      %get3A_569 = tpu.vector_load %arg8[%get3A_567, %get3A_568] {strides = array<i32>} : memref<256x128xf32, #tpu.memory_space<vmem>>, vector<1x16xf32>,
      %get3A_570 = vector.shape_cast %get3A_569 : vector<1x16xf32> to vector<16xf32>
      %add3A_571 = arith.addf %get3A_570, %get3A_501 : vector<16xf32>
      %swap3A_572 = arith.index_cast %add3A_507 : i32 to index
      %swap3A_573 = arith.constant 96 : index
      %swap3A_574 = tpu.vector_load %arg8[%swap3A_572, %swap3A_573] {strides = array<i32>} : memref<256x128xf32, #tpu.memory_space<vmem>>, vector<1x16xf32>,
      %swap3A_575 = vector.shape_cast %swap3A_574 : vector<1x16xf32> to vector<16xf32>
      %swap3A_576 = vector.shape_cast %add3A_571 : vector<16xf32> to vector<1x16xf32>
      tpu.vector_store %arg8[%swap3A_572, %swap3A_573], %swap3A_576 {strides = array<i32>} : memref<256x128xf32, #tpu.memory_space<vmem>>, vector<1x16xf32>,
      %get3A_577 = arith.index_cast %add3A_507 : i32 to index
      %get3A_578 = arith.constant 112 : index
      %get3A_579 = tpu.vector_load %arg8[%get3A_577, %get3A_578] {strides = array<i32>} : memref<256x128xf32, #tpu.memory_space<vmem>>, vector<1x16xf32>,
      %get3A_580 = vector.shape_cast %get3A_579 : vector<1x16xf32> to vector<16xf32>
      %add3A_581 = arith.addf %get3A_580, %get3A_505 : vector<16xf32>
      %swap3A_582 = arith.index_cast %add3A_507 : i32 to index
      %swap3A_583 = arith.constant 112 : index
      %swap3A_584 = tpu.vector_load %arg8[%swap3A_582, %swap3A_583] {strides = array<i32>} : memref<256x128xf32, #tpu.memory_space<vmem>>, vector<1x16xf32>,
      %swap3A_585 = vector.shape_cast %swap3A_584 : vector<1x16xf32> to vector<16xf32>
      %swap3A_586 = vector.shape_cast %add3A_581 : vector<16xf32> to vector<1x16xf32>
      tpu.vector_store %arg8[%swap3A_582, %swap3A_583], %swap3A_586 {strides = array<i32>} : memref<256x128xf32, #tpu.memory_space<vmem>>, vector<1x16xf32>,
      %add3A_587 = arith.constant 64 : i32
      %add3A_588 = arith.addi %add3A_587, %scan3A_474 : i32
      %get3A_589 = arith.index_cast %add3A_588 : i32 to index
      %get3A_590 = arith.constant 0 : index
      %get3A_591 = tpu.vector_load %arg8[%get3A_589, %get3A_590] {strides = array<i32>} : memref<256x128xf32, #tpu.memory_space<vmem>>, vector<1x16xf32>,
      %get3A_592 = vector.shape_cast %get3A_591 : vector<1x16xf32> to vector<16xf32>
      %add3A_593 = arith.addf %get3A_592, %get3A_477 : vector<16xf32>
      %swap3A_594 = arith.index_cast %add3A_588 : i32 to index
      %swap3A_595 = arith.constant 0 : index
      %swap3A_596 = tpu.vector_load %arg8[%swap3A_594, %swap3A_595] {strides = array<i32>} : memref<256x128xf32, #tpu.memory_space<vmem>>, vector<1x16xf32>,
      %swap3A_597 = vector.shape_cast %swap3A_596 : vector<1x16xf32> to vector<16xf32>
      %swap3A_598 = vector.shape_cast %add3A_593 : vector<16xf32> to vector<1x16xf32>
      tpu.vector_store %arg8[%swap3A_594, %swap3A_595], %swap3A_598 {strides = array<i32>} : memref<256x128xf32, #tpu.memory_space<vmem>>, vector<1x16xf32>,
      %get3A_599 = arith.index_cast %add3A_588 : i32 to index
      %get3A_600 = arith.constant 16 : index
      %get3A_601 = tpu.vector_load %arg8[%get3A_599, %get3A_600] {strides = array<i32>} : memref<256x128xf32, #tpu.memory_space<vmem>>, vector<1x16xf32>,
      %get3A_602 = vector.shape_cast %get3A_601 : vector<1x16xf32> to vector<16xf32>
      %add3A_603 = arith.addf %get3A_602, %get3A_481 : vector<16xf32>
      %swap3A_604 = arith.index_cast %add3A_588 : i32 to index
      %swap3A_605 = arith.constant 16 : index
      %swap3A_606 = tpu.vector_load %arg8[%swap3A_604, %swap3A_605] {strides = array<i32>} : memref<256x128xf32, #tpu.memory_space<vmem>>, vector<1x16xf32>,
      %swap3A_607 = vector.shape_cast %swap3A_606 : vector<1x16xf32> to vector<16xf32>
      %swap3A_608 = vector.shape_cast %add3A_603 : vector<16xf32> to vector<1x16xf32>
      tpu.vector_store %arg8[%swap3A_604, %swap3A_605], %swap3A_608 {strides = array<i32>} : memref<256x128xf32, #tpu.memory_space<vmem>>, vector<1x16xf32>,
      %get3A_609 = arith.index_cast %add3A_588 : i32 to index
      %get3A_610 = arith.constant 32 : index
      %get3A_611 = tpu.vector_load %arg8[%get3A_609, %get3A_610] {strides = array<i32>} : memref<256x128xf32, #tpu.memory_space<vmem>>, vector<1x16xf32>,
      %get3A_612 = vector.shape_cast %get3A_611 : vector<1x16xf32> to vector<16xf32>
      %add3A_613 = arith.addf %get3A_612, %get3A_485 : vector<16xf32>
      %swap3A_614 = arith.index_cast %add3A_588 : i32 to index
      %swap3A_615 = arith.constant 32 : index
      %swap3A_616 = tpu.vector_load %arg8[%swap3A_614, %swap3A_615] {strides = array<i32>} : memref<256x128xf32, #tpu.memory_space<vmem>>, vector<1x16xf32>,
      %swap3A_617 = vector.shape_cast %swap3A_616 : vector<1x16xf32> to vector<16xf32>
      %swap3A_618 = vector.shape_cast %add3A_613 : vector<16xf32> to vector<1x16xf32>
      tpu.vector_store %arg8[%swap3A_614, %swap3A_615], %swap3A_618 {strides = array<i32>} : memref<256x128xf32, #tpu.memory_space<vmem>>, vector<1x16xf32>,
      %get3A_619 = arith.index_cast %add3A_588 : i32 to index
      %get3A_620 = arith.constant 48 : index
      %get3A_621 = tpu.vector_load %arg8[%get3A_619, %get3A_620] {strides = array<i32>} : memref<256x128xf32, #tpu.memory_space<vmem>>, vector<1x16xf32>,
      %get3A_622 = vector.shape_cast %get3A_621 : vector<1x16xf32> to vector<16xf32>
      %add3A_623 = arith.addf %get3A_622, %get3A_489 : vector<16xf32>
      %swap3A_624 = arith.index_cast %add3A_588 : i32 to index
      %swap3A_625 = arith.constant 48 : index
      %swap3A_626 = tpu.vector_load %arg8[%swap3A_624, %swap3A_625] {strides = array<i32>} : memref<256x128xf32, #tpu.memory_space<vmem>>, vector<1x16xf32>,
      %swap3A_627 = vector.shape_cast %swap3A_626 : vector<1x16xf32> to vector<16xf32>
      %swap3A_628 = vector.shape_cast %add3A_623 : vector<16xf32> to vector<1x16xf32>
      tpu.vector_store %arg8[%swap3A_624, %swap3A_625], %swap3A_628 {strides = array<i32>} : memref<256x128xf32, #tpu.memory_space<vmem>>, vector<1x16xf32>,
      %get3A_629 = arith.index_cast %add3A_588 : i32 to index
      %get3A_630 = arith.constant 64 : index
      %get3A_631 = tpu.vector_load %arg8[%get3A_629, %get3A_630] {strides = array<i32>} : memref<256x128xf32, #tpu.memory_space<vmem>>, vector<1x16xf32>,
      %get3A_632 = vector.shape_cast %get3A_631 : vector<1x16xf32> to vector<16xf32>
      %add3A_633 = arith.addf %get3A_632, %get3A_493 : vector<16xf32>
      %swap3A_634 = arith.index_cast %add3A_588 : i32 to index
      %swap3A_635 = arith.constant 64 : index
      %swap3A_636 = tpu.vector_load %arg8[%swap3A_634, %swap3A_635] {strides = array<i32>} : memref<256x128xf32, #tpu.memory_space<vmem>>, vector<1x16xf32>,
      %swap3A_637 = vector.shape_cast %swap3A_636 : vector<1x16xf32> to vector<16xf32>
      %swap3A_638 = vector.shape_cast %add3A_633 : vector<16xf32> to vector<1x16xf32>
      tpu.vector_store %arg8[%swap3A_634, %swap3A_635], %swap3A_638 {strides = array<i32>} : memref<256x128xf32, #tpu.memory_space<vmem>>, vector<1x16xf32>,
      %get3A_639 = arith.index_cast %add3A_588 : i32 to index
      %get3A_640 = arith.constant 80 : index
      %get3A_641 = tpu.vector_load %arg8[%get3A_639, %get3A_640] {strides = array<i32>} : memref<256x128xf32, #tpu.memory_space<vmem>>, vector<1x16xf32>,
      %get3A_642 = vector.shape_cast %get3A_641 : vector<1x16xf32> to vector<16xf32>
      %add3A_643 = arith.addf %get3A_642, %get3A_497 : vector<16xf32>
      %swap3A_644 = arith.index_cast %add3A_588 : i32 to index
      %swap3A_645 = arith.constant 80 : index
      %swap3A_646 = tpu.vector_load %arg8[%swap3A_644, %swap3A_645] {strides = array<i32>} : memref<256x128xf32, #tpu.memory_space<vmem>>, vector<1x16xf32>,
      %swap3A_647 = vector.shape_cast %swap3A_646 : vector<1x16xf32> to vector<16xf32>
      %swap3A_648 = vector.shape_cast %add3A_643 : vector<16xf32> to vector<1x16xf32>
      tpu.vector_store %arg8[%swap3A_644, %swap3A_645], %swap3A_648 {strides = array<i32>} : memref<256x128xf32, #tpu.memory_space<vmem>>, vector<1x16xf32>,
      %get3A_649 = arith.index_cast %add3A_588 : i32 to index
      %get3A_650 = arith.constant 96 : index
      %get3A_651 = tpu.vector_load %arg8[%get3A_649, %get3A_650] {strides = array<i32>} : memref<256x128xf32, #tpu.memory_space<vmem>>, vector<1x16xf32>,
      %get3A_652 = vector.shape_cast %get3A_651 : vector<1x16xf32> to vector<16xf32>
      %add3A_653 = arith.addf %get3A_652, %get3A_501 : vector<16xf32>
      %swap3A_654 = arith.index_cast %add3A_588 : i32 to index
      %swap3A_655 = arith.constant 96 : index
      %swap3A_656 = tpu.vector_load %arg8[%swap3A_654, %swap3A_655] {strides = array<i32>} : memref<256x128xf32, #tpu.memory_space<vmem>>, vector<1x16xf32>,
      %swap3A_657 = vector.shape_cast %swap3A_656 : vector<1x16xf32> to vector<16xf32>
      %swap3A_658 = vector.shape_cast %add3A_653 : vector<16xf32> to vector<1x16xf32>
      tpu.vector_store %arg8[%swap3A_654, %swap3A_655], %swap3A_658 {strides = array<i32>} : memref<256x128xf32, #tpu.memory_space<vmem>>, vector<1x16xf32>,
      %get3A_659 = arith.index_cast %add3A_588 : i32 to index
      %get3A_660 = arith.constant 112 : index
      %get3A_661 = tpu.vector_load %arg8[%get3A_659, %get3A_660] {strides = array<i32>} : memref<256x128xf32, #tpu.memory_space<vmem>>, vector<1x16xf32>,
      %get3A_662 = vector.shape_cast %get3A_661 : vector<1x16xf32> to vector<16xf32>
      %add3A_663 = arith.addf %get3A_662, %get3A_505 : vector<16xf32>
      %swap3A_664 = arith.index_cast %add3A_588 : i32 to index
      %swap3A_665 = arith.constant 112 : index
      %swap3A_666 = tpu.vector_load %arg8[%swap3A_664, %swap3A_665] {strides = array<i32>} : memref<256x128xf32, #tpu.memory_space<vmem>>, vector<1x16xf32>,
      %swap3A_667 = vector.shape_cast %swap3A_666 : vector<1x16xf32> to vector<16xf32>
      %swap3A_668 = vector.shape_cast %add3A_663 : vector<16xf32> to vector<1x16xf32>
      tpu.vector_store %arg8[%swap3A_664, %swap3A_665], %swap3A_668 {strides = array<i32>} : memref<256x128xf32, #tpu.memory_space<vmem>>, vector<1x16xf32>,
      %add3A_669 = arith.constant 128 : i32
      %add3A_670 = arith.addi %add3A_669, %scan3A_474 : i32
      %get3A_671 = arith.index_cast %add3A_670 : i32 to index
      %get3A_672 = arith.constant 0 : index
      %get3A_673 = tpu.vector_load %arg8[%get3A_671, %get3A_672] {strides = array<i32>} : memref<256x128xf32, #tpu.memory_space<vmem>>, vector<1x16xf32>,
      %get3A_674 = vector.shape_cast %get3A_673 : vector<1x16xf32> to vector<16xf32>
      %add3A_675 = arith.addf %get3A_674, %get3A_477 : vector<16xf32>
      %swap3A_676 = arith.index_cast %add3A_670 : i32 to index
      %swap3A_677 = arith.constant 0 : index
      %swap3A_678 = tpu.vector_load %arg8[%swap3A_676, %swap3A_677] {strides = array<i32>} : memref<256x128xf32, #tpu.memory_space<vmem>>, vector<1x16xf32>,
      %swap3A_679 = vector.shape_cast %swap3A_678 : vector<1x16xf32> to vector<16xf32>
      %swap3A_680 = vector.shape_cast %add3A_675 : vector<16xf32> to vector<1x16xf32>
      tpu.vector_store %arg8[%swap3A_676, %swap3A_677], %swap3A_680 {strides = array<i32>} : memref<256x128xf32, #tpu.memory_space<vmem>>, vector<1x16xf32>,
      %get3A_681 = arith.index_cast %add3A_670 : i32 to index
      %get3A_682 = arith.constant 16 : index
      %get3A_683 = tpu.vector_load %arg8[%get3A_681, %get3A_682] {strides = array<i32>} : memref<256x128xf32, #tpu.memory_space<vmem>>, vector<1x16xf32>,
      %get3A_684 = vector.shape_cast %get3A_683 : vector<1x16xf32> to vector<16xf32>
      %add3A_685 = arith.addf %get3A_684, %get3A_481 : vector<16xf32>
      %swap3A_686 = arith.index_cast %add3A_670 : i32 to index
      %swap3A_687 = arith.constant 16 : index
      %swap3A_688 = tpu.vector_load %arg8[%swap3A_686, %swap3A_687] {strides = array<i32>} : memref<256x128xf32, #tpu.memory_space<vmem>>, vector<1x16xf32>,
      %swap3A_689 = vector.shape_cast %swap3A_688 : vector<1x16xf32> to vector<16xf32>
      %swap3A_690 = vector.shape_cast %add3A_685 : vector<16xf32> to vector<1x16xf32>
      tpu.vector_store %arg8[%swap3A_686, %swap3A_687], %swap3A_690 {strides = array<i32>} : memref<256x128xf32, #tpu.memory_space<vmem>>, vector<1x16xf32>,
      %get3A_691 = arith.index_cast %add3A_670 : i32 to index
      %get3A_692 = arith.constant 32 : index
      %get3A_693 = tpu.vector_load %arg8[%get3A_691, %get3A_692] {strides = array<i32>} : memref<256x128xf32, #tpu.memory_space<vmem>>, vector<1x16xf32>,
      %get3A_694 = vector.shape_cast %get3A_693 : vector<1x16xf32> to vector<16xf32>
      %add3A_695 = arith.addf %get3A_694, %get3A_485 : vector<16xf32>
      %swap3A_696 = arith.index_cast %add3A_670 : i32 to index
      %swap3A_697 = arith.constant 32 : index
      %swap3A_698 = tpu.vector_load %arg8[%swap3A_696, %swap3A_697] {strides = array<i32>} : memref<256x128xf32, #tpu.memory_space<vmem>>, vector<1x16xf32>,
      %swap3A_699 = vector.shape_cast %swap3A_698 : vector<1x16xf32> to vector<16xf32>
      %swap3A_700 = vector.shape_cast %add3A_695 : vector<16xf32> to vector<1x16xf32>
      tpu.vector_store %arg8[%swap3A_696, %swap3A_697], %swap3A_700 {strides = array<i32>} : memref<256x128xf32, #tpu.memory_space<vmem>>, vector<1x16xf32>,
      %get3A_701 = arith.index_cast %add3A_670 : i32 to index
      %get3A_702 = arith.constant 48 : index
      %get3A_703 = tpu.vector_load %arg8[%get3A_701, %get3A_702] {strides = array<i32>} : memref<256x128xf32, #tpu.memory_space<vmem>>, vector<1x16xf32>,
      %get3A_704 = vector.shape_cast %get3A_703 : vector<1x16xf32> to vector<16xf32>
      %add3A_705 = arith.addf %get3A_704, %get3A_489 : vector<16xf32>
      %swap3A_706 = arith.index_cast %add3A_670 : i32 to index
      %swap3A_707 = arith.constant 48 : index
      %swap3A_708 = tpu.vector_load %arg8[%swap3A_706, %swap3A_707] {strides = array<i32>} : memref<256x128xf32, #tpu.memory_space<vmem>>, vector<1x16xf32>,
      %swap3A_709 = vector.shape_cast %swap3A_708 : vector<1x16xf32> to vector<16xf32>
      %swap3A_710 = vector.shape_cast %add3A_705 : vector<16xf32> to vector<1x16xf32>
      tpu.vector_store %arg8[%swap3A_706, %swap3A_707], %swap3A_710 {strides = array<i32>} : memref<256x128xf32, #tpu.memory_space<vmem>>, vector<1x16xf32>,
      %get3A_711 = arith.index_cast %add3A_670 : i32 to index
      %get3A_712 = arith.constant 64 : index
      %get3A_713 = tpu.vector_load %arg8[%get3A_711, %get3A_712] {strides = array<i32>} : memref<256x128xf32, #tpu.memory_space<vmem>>, vector<1x16xf32>,
      %get3A_714 = vector.shape_cast %get3A_713 : vector<1x16xf32> to vector<16xf32>
      %add3A_715 = arith.addf %get3A_714, %get3A_493 : vector<16xf32>
      %swap3A_716 = arith.index_cast %add3A_670 : i32 to index
      %swap3A_717 = arith.constant 64 : index
      %swap3A_718 = tpu.vector_load %arg8[%swap3A_716, %swap3A_717] {strides = array<i32>} : memref<256x128xf32, #tpu.memory_space<vmem>>, vector<1x16xf32>,
      %swap3A_719 = vector.shape_cast %swap3A_718 : vector<1x16xf32> to vector<16xf32>
      %swap3A_720 = vector.shape_cast %add3A_715 : vector<16xf32> to vector<1x16xf32>
      tpu.vector_store %arg8[%swap3A_716, %swap3A_717], %swap3A_720 {strides = array<i32>} : memref<256x128xf32, #tpu.memory_space<vmem>>, vector<1x16xf32>,
      %get3A_721 = arith.index_cast %add3A_670 : i32 to index
      %get3A_722 = arith.constant 80 : index
      %get3A_723 = tpu.vector_load %arg8[%get3A_721, %get3A_722] {strides = array<i32>} : memref<256x128xf32, #tpu.memory_space<vmem>>, vector<1x16xf32>,
      %get3A_724 = vector.shape_cast %get3A_723 : vector<1x16xf32> to vector<16xf32>
      %add3A_725 = arith.addf %get3A_724, %get3A_497 : vector<16xf32>
      %swap3A_726 = arith.index_cast %add3A_670 : i32 to index
      %swap3A_727 = arith.constant 80 : index
      %swap3A_728 = tpu.vector_load %arg8[%swap3A_726, %swap3A_727] {strides = array<i32>} : memref<256x128xf32, #tpu.memory_space<vmem>>, vector<1x16xf32>,
      %swap3A_729 = vector.shape_cast %swap3A_728 : vector<1x16xf32> to vector<16xf32>
      %swap3A_730 = vector.shape_cast %add3A_725 : vector<16xf32> to vector<1x16xf32>
      tpu.vector_store %arg8[%swap3A_726, %swap3A_727], %swap3A_730 {strides = array<i32>} : memref<256x128xf32, #tpu.memory_space<vmem>>, vector<1x16xf32>,
      %get3A_731 = arith.index_cast %add3A_670 : i32 to index
      %get3A_732 = arith.constant 96 : index
      %get3A_733 = tpu.vector_load %arg8[%get3A_731, %get3A_732] {strides = array<i32>} : memref<256x128xf32, #tpu.memory_space<vmem>>, vector<1x16xf32>,
      %get3A_734 = vector.shape_cast %get3A_733 : vector<1x16xf32> to vector<16xf32>
      %add3A_735 = arith.addf %get3A_734, %get3A_501 : vector<16xf32>
      %swap3A_736 = arith.index_cast %add3A_670 : i32 to index
      %swap3A_737 = arith.constant 96 : index
      %swap3A_738 = tpu.vector_load %arg8[%swap3A_736, %swap3A_737] {strides = array<i32>} : memref<256x128xf32, #tpu.memory_space<vmem>>, vector<1x16xf32>,
      %swap3A_739 = vector.shape_cast %swap3A_738 : vector<1x16xf32> to vector<16xf32>
      %swap3A_740 = vector.shape_cast %add3A_735 : vector<16xf32> to vector<1x16xf32>
      tpu.vector_store %arg8[%swap3A_736, %swap3A_737], %swap3A_740 {strides = array<i32>} : memref<256x128xf32, #tpu.memory_space<vmem>>, vector<1x16xf32>,
      %get3A_741 = arith.index_cast %add3A_670 : i32 to index
      %get3A_742 = arith.constant 112 : index
      %get3A_743 = tpu.vector_load %arg8[%get3A_741, %get3A_742] {strides = array<i32>} : memref<256x128xf32, #tpu.memory_space<vmem>>, vector<1x16xf32>,
      %get3A_744 = vector.shape_cast %get3A_743 : vector<1x16xf32> to vector<16xf32>
      %add3A_745 = arith.addf %get3A_744, %get3A_505 : vector<16xf32>
      %swap3A_746 = arith.index_cast %add3A_670 : i32 to index
      %swap3A_747 = arith.constant 112 : index
      %swap3A_748 = tpu.vector_load %arg8[%swap3A_746, %swap3A_747] {strides = array<i32>} : memref<256x128xf32, #tpu.memory_space<vmem>>, vector<1x16xf32>,
      %swap3A_749 = vector.shape_cast %swap3A_748 : vector<1x16xf32> to vector<16xf32>
      %swap3A_750 = vector.shape_cast %add3A_745 : vector<16xf32> to vector<1x16xf32>
      tpu.vector_store %arg8[%swap3A_746, %swap3A_747], %swap3A_750 {strides = array<i32>} : memref<256x128xf32, #tpu.memory_space<vmem>>, vector<1x16xf32>,
      %add3A_751 = arith.constant 192 : i32
      %add3A_752 = arith.addi %add3A_751, %scan3A_474 : i32
      %get3A_753 = arith.index_cast %add3A_752 : i32 to index
      %get3A_754 = arith.constant 0 : index
      %get3A_755 = tpu.vector_load %arg8[%get3A_753, %get3A_754] {strides = array<i32>} : memref<256x128xf32, #tpu.memory_space<vmem>>, vector<1x16xf32>,
      %get3A_756 = vector.shape_cast %get3A_755 : vector<1x16xf32> to vector<16xf32>
      %add3A_757 = arith.addf %get3A_756, %get3A_477 : vector<16xf32>
      %swap3A_758 = arith.index_cast %add3A_752 : i32 to index
      %swap3A_759 = arith.constant 0 : index
      %swap3A_760 = tpu.vector_load %arg8[%swap3A_758, %swap3A_759] {strides = array<i32>} : memref<256x128xf32, #tpu.memory_space<vmem>>, vector<1x16xf32>,
      %swap3A_761 = vector.shape_cast %swap3A_760 : vector<1x16xf32> to vector<16xf32>
      %swap3A_762 = vector.shape_cast %add3A_757 : vector<16xf32> to vector<1x16xf32>
      tpu.vector_store %arg8[%swap3A_758, %swap3A_759], %swap3A_762 {strides = array<i32>} : memref<256x128xf32, #tpu.memory_space<vmem>>, vector<1x16xf32>,
      %get3A_763 = arith.index_cast %add3A_752 : i32 to index
      %get3A_764 = arith.constant 16 : index
      %get3A_765 = tpu.vector_load %arg8[%get3A_763, %get3A_764] {strides = array<i32>} : memref<256x128xf32, #tpu.memory_space<vmem>>, vector<1x16xf32>,
      %get3A_766 = vector.shape_cast %get3A_765 : vector<1x16xf32> to vector<16xf32>
      %add3A_767 = arith.addf %get3A_766, %get3A_481 : vector<16xf32>
      %swap3A_768 = arith.index_cast %add3A_752 : i32 to index
      %swap3A_769 = arith.constant 16 : index
      %swap3A_770 = tpu.vector_load %arg8[%swap3A_768, %swap3A_769] {strides = array<i32>} : memref<256x128xf32, #tpu.memory_space<vmem>>, vector<1x16xf32>,
      %swap3A_771 = vector.shape_cast %swap3A_770 : vector<1x16xf32> to vector<16xf32>
      %swap3A_772 = vector.shape_cast %add3A_767 : vector<16xf32> to vector<1x16xf32>
      tpu.vector_store %arg8[%swap3A_768, %swap3A_769], %swap3A_772 {strides = array<i32>} : memref<256x128xf32, #tpu.memory_space<vmem>>, vector<1x16xf32>,
      %get3A_773 = arith.index_cast %add3A_752 : i32 to index
      %get3A_774 = arith.constant 32 : index
      %get3A_775 = tpu.vector_load %arg8[%get3A_773, %get3A_774] {strides = array<i32>} : memref<256x128xf32, #tpu.memory_space<vmem>>, vector<1x16xf32>,
      %get3A_776 = vector.shape_cast %get3A_775 : vector<1x16xf32> to vector<16xf32>
      %add3A_777 = arith.addf %get3A_776, %get3A_485 : vector<16xf32>
      %swap3A_778 = arith.index_cast %add3A_752 : i32 to index
      %swap3A_779 = arith.constant 32 : index
      %swap3A_780 = tpu.vector_load %arg8[%swap3A_778, %swap3A_779] {strides = array<i32>} : memref<256x128xf32, #tpu.memory_space<vmem>>, vector<1x16xf32>,
      %swap3A_781 = vector.shape_cast %swap3A_780 : vector<1x16xf32> to vector<16xf32>
      %swap3A_782 = vector.shape_cast %add3A_777 : vector<16xf32> to vector<1x16xf32>
      tpu.vector_store %arg8[%swap3A_778, %swap3A_779], %swap3A_782 {strides = array<i32>} : memref<256x128xf32, #tpu.memory_space<vmem>>, vector<1x16xf32>,
      %get3A_783 = arith.index_cast %add3A_752 : i32 to index
      %get3A_784 = arith.constant 48 : index
      %get3A_785 = tpu.vector_load %arg8[%get3A_783, %get3A_784] {strides = array<i32>} : memref<256x128xf32, #tpu.memory_space<vmem>>, vector<1x16xf32>,
      %get3A_786 = vector.shape_cast %get3A_785 : vector<1x16xf32> to vector<16xf32>
      %add3A_787 = arith.addf %get3A_786, %get3A_489 : vector<16xf32>
      %swap3A_788 = arith.index_cast %add3A_752 : i32 to index
      %swap3A_789 = arith.constant 48 : index
      %swap3A_790 = tpu.vector_load %arg8[%swap3A_788, %swap3A_789] {strides = array<i32>} : memref<256x128xf32, #tpu.memory_space<vmem>>, vector<1x16xf32>,
      %swap3A_791 = vector.shape_cast %swap3A_790 : vector<1x16xf32> to vector<16xf32>
      %swap3A_792 = vector.shape_cast %add3A_787 : vector<16xf32> to vector<1x16xf32>
      tpu.vector_store %arg8[%swap3A_788, %swap3A_789], %swap3A_792 {strides = array<i32>} : memref<256x128xf32, #tpu.memory_space<vmem>>, vector<1x16xf32>,
      %get3A_793 = arith.index_cast %add3A_752 : i32 to index
      %get3A_794 = arith.constant 64 : index
      %get3A_795 = tpu.vector_load %arg8[%get3A_793, %get3A_794] {strides = array<i32>} : memref<256x128xf32, #tpu.memory_space<vmem>>, vector<1x16xf32>,
      %get3A_796 = vector.shape_cast %get3A_795 : vector<1x16xf32> to vector<16xf32>
      %add3A_797 = arith.addf %get3A_796, %get3A_493 : vector<16xf32>
      %swap3A_798 = arith.index_cast %add3A_752 : i32 to index
      %swap3A_799 = arith.constant 64 : index
      %swap3A_800 = tpu.vector_load %arg8[%swap3A_798, %swap3A_799] {strides = array<i32>} : memref<256x128xf32, #tpu.memory_space<vmem>>, vector<1x16xf32>,
      %swap3A_801 = vector.shape_cast %swap3A_800 : vector<1x16xf32> to vector<16xf32>
      %swap3A_802 = vector.shape_cast %add3A_797 : vector<16xf32> to vector<1x16xf32>
      tpu.vector_store %arg8[%swap3A_798, %swap3A_799], %swap3A_802 {strides = array<i32>} : memref<256x128xf32, #tpu.memory_space<vmem>>, vector<1x16xf32>,
      %get3A_803 = arith.index_cast %add3A_752 : i32 to index
      %get3A_804 = arith.constant 80 : index
      %get3A_805 = tpu.vector_load %arg8[%get3A_803, %get3A_804] {strides = array<i32>} : memref<256x128xf32, #tpu.memory_space<vmem>>, vector<1x16xf32>,
      %get3A_806 = vector.shape_cast %get3A_805 : vector<1x16xf32> to vector<16xf32>
      %add3A_807 = arith.addf %get3A_806, %get3A_497 : vector<16xf32>
      %swap3A_808 = arith.index_cast %add3A_752 : i32 to index
      %swap3A_809 = arith.constant 80 : index
      %swap3A_810 = tpu.vector_load %arg8[%swap3A_808, %swap3A_809] {strides = array<i32>} : memref<256x128xf32, #tpu.memory_space<vmem>>, vector<1x16xf32>,
      %swap3A_811 = vector.shape_cast %swap3A_810 : vector<1x16xf32> to vector<16xf32>
      %swap3A_812 = vector.shape_cast %add3A_807 : vector<16xf32> to vector<1x16xf32>
      tpu.vector_store %arg8[%swap3A_808, %swap3A_809], %swap3A_812 {strides = array<i32>} : memref<256x128xf32, #tpu.memory_space<vmem>>, vector<1x16xf32>,
      %get3A_813 = arith.index_cast %add3A_752 : i32 to index
      %get3A_814 = arith.constant 96 : index
      %get3A_815 = tpu.vector_load %arg8[%get3A_813, %get3A_814] {strides = array<i32>} : memref<256x128xf32, #tpu.memory_space<vmem>>, vector<1x16xf32>,
      %get3A_816 = vector.shape_cast %get3A_815 : vector<1x16xf32> to vector<16xf32>
      %add3A_817 = arith.addf %get3A_816, %get3A_501 : vector<16xf32>
      %swap3A_818 = arith.index_cast %add3A_752 : i32 to index
      %swap3A_819 = arith.constant 96 : index
      %swap3A_820 = tpu.vector_load %arg8[%swap3A_818, %swap3A_819] {strides = array<i32>} : memref<256x128xf32, #tpu.memory_space<vmem>>, vector<1x16xf32>,
      %swap3A_821 = vector.shape_cast %swap3A_820 : vector<1x16xf32> to vector<16xf32>
      %swap3A_822 = vector.shape_cast %add3A_817 : vector<16xf32> to vector<1x16xf32>
      tpu.vector_store %arg8[%swap3A_818, %swap3A_819], %swap3A_822 {strides = array<i32>} : memref<256x128xf32, #tpu.memory_space<vmem>>, vector<1x16xf32>,
      %get3A_823 = arith.index_cast %add3A_752 : i32 to index
      %get3A_824 = arith.constant 112 : index
      %get3A_825 = tpu.vector_load %arg8[%get3A_823, %get3A_824] {strides = array<i32>} : memref<256x128xf32, #tpu.memory_space<vmem>>, vector<1x16xf32>,
      %get3A_826 = vector.shape_cast %get3A_825 : vector<1x16xf32> to vector<16xf32>
      %add3A_827 = arith.addf %get3A_826, %get3A_505 : vector<16xf32>
      %swap3A_828 = arith.index_cast %add3A_752 : i32 to index
      %swap3A_829 = arith.constant 112 : index
      %swap3A_830 = tpu.vector_load %arg8[%swap3A_828, %swap3A_829] {strides = array<i32>} : memref<256x128xf32, #tpu.memory_space<vmem>>, vector<1x16xf32>,
      %swap3A_831 = vector.shape_cast %swap3A_830 : vector<1x16xf32> to vector<16xf32>
      %swap3A_832 = vector.shape_cast %add3A_827 : vector<16xf32> to vector<1x16xf32>
      tpu.vector_store %arg8[%swap3A_828, %swap3A_829], %swap3A_832 {strides = array<i32>} : memref<256x128xf32, #tpu.memory_space<vmem>>, vector<1x16xf32>,
    }
    %scan3A_139 = arith.constant 16 : i32
    %add3A_140 = arith.constant 0 : i32
    %add3A_141 = arith.addi %add3A_140, %mul3A_2 : i32
    %add3A_142 = arith.constant 0 : i32
    %add3A_143 = arith.addi %add3A_141, %add3A_142 : i32
    %dma_start3A_144 = arith.constant 0 : i32
    %dma_start3A_145 = arith.constant 0 : i32
    %dma_start3A_146 = tpu.memref_slice %arg8[%dma_start3A_144, %dma_start3A_145] : memref<256x128xf32, #tpu.memory_space<vmem>> -> memref<16x128xf32, #tpu.memory_space<vmem>>
    %dma_start3A_147 = arith.constant 0 : i32
    %dma_start3A_148 = tpu.memref_slice %arg5[%add3A_143, %dma_start3A_147] : memref<8192x128xf32, #tpu.memory_space<hbm>> -> memref<16x128xf32, #tpu.memory_space<hbm>>
    %dma_start3A_149 = arith.constant 0 : i32
    %dma_start3A_150 = tpu.memref_slice %arg5[%add3A_143, %dma_start3A_149] : memref<8192x128xf32, #tpu.memory_space<hbm>> -> memref<16x128xf32, #tpu.memory_space<hbm>>
    %dma_start3A_151 = arith.constant 0 : i32
    %dma_start3A_152 = arith.constant 0 : i32
    %dma_start3A_153 = tpu.memref_slice %arg8[%dma_start3A_151, %dma_start3A_152] : memref<256x128xf32, #tpu.memory_space<vmem>> -> memref<16x128xf32, #tpu.memory_space<vmem>>
    tpu.enqueue_dma source(%dma_start3A_153 : memref<16x128xf32, #tpu.memory_space<vmem>>) target(%dma_start3A_150 : memref<16x128xf32, #tpu.memory_space<hbm>>) target_semaphore(%arg18 : memref<!tpu.dma_semaphore, #tpu.memory_space<semaphore_mem>>)
    %add3A_154 = arith.constant 2048 : i32
    %add3A_155 = arith.addi %add3A_154, %mul3A_2 : i32
    %add3A_156 = arith.constant 0 : i32
    %add3A_157 = arith.addi %add3A_155, %add3A_156 : i32
    %dma_start3A_158 = arith.constant 64 : i32
    %dma_start3A_159 = arith.constant 0 : i32
    %dma_start3A_160 = tpu.memref_slice %arg8[%dma_start3A_158, %dma_start3A_159] : memref<256x128xf32, #tpu.memory_space<vmem>> -> memref<16x128xf32, #tpu.memory_space<vmem>>
    %dma_start3A_161 = arith.constant 0 : i32
    %dma_start3A_162 = tpu.memref_slice %arg5[%add3A_157, %dma_start3A_161] : memref<8192x128xf32, #tpu.memory_space<hbm>> -> memref<16x128xf32, #tpu.memory_space<hbm>>
    %dma_start3A_163 = arith.constant 0 : i32
    %dma_start3A_164 = tpu.memref_slice %arg5[%add3A_157, %dma_start3A_163] : memref<8192x128xf32, #tpu.memory_space<hbm>> -> memref<16x128xf32, #tpu.memory_space<hbm>>
    %dma_start3A_165 = arith.constant 64 : i32
    %dma_start3A_166 = arith.constant 0 : i32
    %dma_start3A_167 = tpu.memref_slice %arg8[%dma_start3A_165, %dma_start3A_166] : memref<256x128xf32, #tpu.memory_space<vmem>> -> memref<16x128xf32, #tpu.memory_space<vmem>>
    tpu.enqueue_dma source(%dma_start3A_167 : memref<16x128xf32, #tpu.memory_space<vmem>>) target(%dma_start3A_164 : memref<16x128xf32, #tpu.memory_space<hbm>>) target_semaphore(%arg18 : memref<!tpu.dma_semaphore, #tpu.memory_space<semaphore_mem>>)
    %add3A_168 = arith.constant 4096 : i32
    %add3A_169 = arith.addi %add3A_168, %mul3A_2 : i32
    %add3A_170 = arith.constant 0 : i32
    %add3A_171 = arith.addi %add3A_169, %add3A_170 : i32
    %dma_start3A_172 = arith.constant 128 : i32
    %dma_start3A_173 = arith.constant 0 : i32
    %dma_start3A_174 = tpu.memref_slice %arg8[%dma_start3A_172, %dma_start3A_173] : memref<256x128xf32, #tpu.memory_space<vmem>> -> memref<16x128xf32, #tpu.memory_space<vmem>>
    %dma_start3A_175 = arith.constant 0 : i32
    %dma_start3A_176 = tpu.memref_slice %arg5[%add3A_171, %dma_start3A_175] : memref<8192x128xf32, #tpu.memory_space<hbm>> -> memref<16x128xf32, #tpu.memory_space<hbm>>
    %dma_start3A_177 = arith.constant 0 : i32
    %dma_start3A_178 = tpu.memref_slice %arg5[%add3A_171, %dma_start3A_177] : memref<8192x128xf32, #tpu.memory_space<hbm>> -> memref<16x128xf32, #tpu.memory_space<hbm>>
    %dma_start3A_179 = arith.constant 128 : i32
    %dma_start3A_180 = arith.constant 0 : i32
    %dma_start3A_181 = tpu.memref_slice %arg8[%dma_start3A_179, %dma_start3A_180] : memref<256x128xf32, #tpu.memory_space<vmem>> -> memref<16x128xf32, #tpu.memory_space<vmem>>
    tpu.enqueue_dma source(%dma_start3A_181 : memref<16x128xf32, #tpu.memory_space<vmem>>) target(%dma_start3A_178 : memref<16x128xf32, #tpu.memory_space<hbm>>) target_semaphore(%arg18 : memref<!tpu.dma_semaphore, #tpu.memory_space<semaphore_mem>>)
    %add3A_182 = arith.constant 6144 : i32
    %add3A_183 = arith.addi %add3A_182, %mul3A_2 : i32
    %add3A_184 = arith.constant 0 : i32
    %add3A_185 = arith.addi %add3A_183, %add3A_184 : i32
    %dma_start3A_186 = arith.constant 192 : i32
    %dma_start3A_187 = arith.constant 0 : i32
    %dma_start3A_188 = tpu.memref_slice %arg8[%dma_start3A_186, %dma_start3A_187] : memref<256x128xf32, #tpu.memory_space<vmem>> -> memref<16x128xf32, #tpu.memory_space<vmem>>
    %dma_start3A_189 = arith.constant 0 : i32
    %dma_start3A_190 = tpu.memref_slice %arg5[%add3A_185, %dma_start3A_189] : memref<8192x128xf32, #tpu.memory_space<hbm>> -> memref<16x128xf32, #tpu.memory_space<hbm>>
    %dma_start3A_191 = arith.constant 0 : i32
    %dma_start3A_192 = tpu.memref_slice %arg5[%add3A_185, %dma_start3A_191] : memref<8192x128xf32, #tpu.memory_space<hbm>> -> memref<16x128xf32, #tpu.memory_space<hbm>>
    %dma_start3A_193 = arith.constant 192 : i32
    %dma_start3A_194 = arith.constant 0 : i32
    %dma_start3A_195 = tpu.memref_slice %arg8[%dma_start3A_193, %dma_start3A_194] : memref<256x128xf32, #tpu.memory_space<vmem>> -> memref<16x128xf32, #tpu.memory_space<vmem>>
    tpu.enqueue_dma source(%dma_start3A_195 : memref<16x128xf32, #tpu.memory_space<vmem>>) target(%dma_start3A_192 : memref<16x128xf32, #tpu.memory_space<hbm>>) target_semaphore(%arg18 : memref<!tpu.dma_semaphore, #tpu.memory_space<semaphore_mem>>)
    %scan3A_196 = arith.constant 0 : i32
    %scan3A_197 = arith.constant 16 : i32
    %scan3A_198 = arith.constant 16 : i32
    %scan3A_199 = arith.addi %scan3A_197, %scan3A_198 : i32
    %scan3A_200 = arith.constant 1 : i32
    scf.for %scan3A_474 = %scan3A_197 to %scan3A_199 step %scan3A_200  : i32 {
      %get3A = arith.index_cast %scan3A_474 : i32 to index
      %get3A_475 = arith.constant 0 : index
      %get3A_476 = tpu.vector_load %arg7[%get3A, %get3A_475] {strides = array<i32>} : memref<64x128xf32, #tpu.memory_space<vmem>>, vector<1x16xf32>,
      %get3A_477 = vector.shape_cast %get3A_476 : vector<1x16xf32> to vector<16xf32>
      %get3A_478 = arith.index_cast %scan3A_474 : i32 to index
      %get3A_479 = arith.constant 16 : index
      %get3A_480 = tpu.vector_load %arg7[%get3A_478, %get3A_479] {strides = array<i32>} : memref<64x128xf32, #tpu.memory_space<vmem>>, vector<1x16xf32>,
      %get3A_481 = vector.shape_cast %get3A_480 : vector<1x16xf32> to vector<16xf32>
      %get3A_482 = arith.index_cast %scan3A_474 : i32 to index
      %get3A_483 = arith.constant 32 : index
      %get3A_484 = tpu.vector_load %arg7[%get3A_482, %get3A_483] {strides = array<i32>} : memref<64x128xf32, #tpu.memory_space<vmem>>, vector<1x16xf32>,
      %get3A_485 = vector.shape_cast %get3A_484 : vector<1x16xf32> to vector<16xf32>
      %get3A_486 = arith.index_cast %scan3A_474 : i32 to index
      %get3A_487 = arith.constant 48 : index
      %get3A_488 = tpu.vector_load %arg7[%get3A_486, %get3A_487] {strides = array<i32>} : memref<64x128xf32, #tpu.memory_space<vmem>>, vector<1x16xf32>,
      %get3A_489 = vector.shape_cast %get3A_488 : vector<1x16xf32> to vector<16xf32>
      %get3A_490 = arith.index_cast %scan3A_474 : i32 to index
      %get3A_491 = arith.constant 64 : index
      %get3A_492 = tpu.vector_load %arg7[%get3A_490, %get3A_491] {strides = array<i32>} : memref<64x128xf32, #tpu.memory_space<vmem>>, vector<1x16xf32>,
      %get3A_493 = vector.shape_cast %get3A_492 : vector<1x16xf32> to vector<16xf32>
      %get3A_494 = arith.index_cast %scan3A_474 : i32 to index
      %get3A_495 = arith.constant 80 : index
      %get3A_496 = tpu.vector_load %arg7[%get3A_494, %get3A_495] {strides = array<i32>} : memref<64x128xf32, #tpu.memory_space<vmem>>, vector<1x16xf32>,
      %get3A_497 = vector.shape_cast %get3A_496 : vector<1x16xf32> to vector<16xf32>
      %get3A_498 = arith.index_cast %scan3A_474 : i32 to index
      %get3A_499 = arith.constant 96 : index
      %get3A_500 = tpu.vector_load %arg7[%get3A_498, %get3A_499] {strides = array<i32>} : memref<64x128xf32, #tpu.memory_space<vmem>>, vector<1x16xf32>,
      %get3A_501 = vector.shape_cast %get3A_500 : vector<1x16xf32> to vector<16xf32>
      %get3A_502 = arith.index_cast %scan3A_474 : i32 to index
      %get3A_503 = arith.constant 112 : index
      %get3A_504 = tpu.vector_load %arg7[%get3A_502, %get3A_503] {strides = array<i32>} : memref<64x128xf32, #tpu.memory_space<vmem>>, vector<1x16xf32>,
      %get3A_505 = vector.shape_cast %get3A_504 : vector<1x16xf32> to vector<16xf32>
      %add3A_506 = arith.constant 0 : i32
      %add3A_507 = arith.addi %add3A_506, %scan3A_474 : i32
      %get3A_508 = arith.index_cast %add3A_507 : i32 to index
      %get3A_509 = arith.constant 0 : index
      %get3A_510 = tpu.vector_load %arg8[%get3A_508, %get3A_509] {strides = array<i32>} : memref<256x128xf32, #tpu.memory_space<vmem>>, vector<1x16xf32>,
      %get3A_511 = vector.shape_cast %get3A_510 : vector<1x16xf32> to vector<16xf32>
      %add3A_512 = arith.addf %get3A_511, %get3A_477 : vector<16xf32>
      %swap3A = arith.index_cast %add3A_507 : i32 to index
      %swap3A_513 = arith.constant 0 : index
      %swap3A_514 = tpu.vector_load %arg8[%swap3A, %swap3A_513] {strides = array<i32>} : memref<256x128xf32, #tpu.memory_space<vmem>>, vector<1x16xf32>,
      %swap3A_515 = vector.shape_cast %swap3A_514 : vector<1x16xf32> to vector<16xf32>
      %swap3A_516 = vector.shape_cast %add3A_512 : vector<16xf32> to vector<1x16xf32>
      tpu.vector_store %arg8[%swap3A, %swap3A_513], %swap3A_516 {strides = array<i32>} : memref<256x128xf32, #tpu.memory_space<vmem>>, vector<1x16xf32>,
      %get3A_517 = arith.index_cast %add3A_507 : i32 to index
      %get3A_518 = arith.constant 16 : index
      %get3A_519 = tpu.vector_load %arg8[%get3A_517, %get3A_518] {strides = array<i32>} : memref<256x128xf32, #tpu.memory_space<vmem>>, vector<1x16xf32>,
      %get3A_520 = vector.shape_cast %get3A_519 : vector<1x16xf32> to vector<16xf32>
      %add3A_521 = arith.addf %get3A_520, %get3A_481 : vector<16xf32>
      %swap3A_522 = arith.index_cast %add3A_507 : i32 to index
      %swap3A_523 = arith.constant 16 : index
      %swap3A_524 = tpu.vector_load %arg8[%swap3A_522, %swap3A_523] {strides = array<i32>} : memref<256x128xf32, #tpu.memory_space<vmem>>, vector<1x16xf32>,
      %swap3A_525 = vector.shape_cast %swap3A_524 : vector<1x16xf32> to vector<16xf32>
      %swap3A_526 = vector.shape_cast %add3A_521 : vector<16xf32> to vector<1x16xf32>
      tpu.vector_store %arg8[%swap3A_522, %swap3A_523], %swap3A_526 {strides = array<i32>} : memref<256x128xf32, #tpu.memory_space<vmem>>, vector<1x16xf32>,
      %get3A_527 = arith.index_cast %add3A_507 : i32 to index
      %get3A_528 = arith.constant 32 : index
      %get3A_529 = tpu.vector_load %arg8[%get3A_527, %get3A_528] {strides = array<i32>} : memref<256x128xf32, #tpu.memory_space<vmem>>, vector<1x16xf32>,
      %get3A_530 = vector.shape_cast %get3A_529 : vector<1x16xf32> to vector<16xf32>
      %add3A_531 = arith.addf %get3A_530, %get3A_485 : vector<16xf32>
      %swap3A_532 = arith.index_cast %add3A_507 : i32 to index
      %swap3A_533 = arith.constant 32 : index
      %swap3A_534 = tpu.vector_load %arg8[%swap3A_532, %swap3A_533] {strides = array<i32>} : memref<256x128xf32, #tpu.memory_space<vmem>>, vector<1x16xf32>,
      %swap3A_535 = vector.shape_cast %swap3A_534 : vector<1x16xf32> to vector<16xf32>
      %swap3A_536 = vector.shape_cast %add3A_531 : vector<16xf32> to vector<1x16xf32>
      tpu.vector_store %arg8[%swap3A_532, %swap3A_533], %swap3A_536 {strides = array<i32>} : memref<256x128xf32, #tpu.memory_space<vmem>>, vector<1x16xf32>,
      %get3A_537 = arith.index_cast %add3A_507 : i32 to index
      %get3A_538 = arith.constant 48 : index
      %get3A_539 = tpu.vector_load %arg8[%get3A_537, %get3A_538] {strides = array<i32>} : memref<256x128xf32, #tpu.memory_space<vmem>>, vector<1x16xf32>,
      %get3A_540 = vector.shape_cast %get3A_539 : vector<1x16xf32> to vector<16xf32>
      %add3A_541 = arith.addf %get3A_540, %get3A_489 : vector<16xf32>
      %swap3A_542 = arith.index_cast %add3A_507 : i32 to index
      %swap3A_543 = arith.constant 48 : index
      %swap3A_544 = tpu.vector_load %arg8[%swap3A_542, %swap3A_543] {strides = array<i32>} : memref<256x128xf32, #tpu.memory_space<vmem>>, vector<1x16xf32>,
      %swap3A_545 = vector.shape_cast %swap3A_544 : vector<1x16xf32> to vector<16xf32>
      %swap3A_546 = vector.shape_cast %add3A_541 : vector<16xf32> to vector<1x16xf32>
      tpu.vector_store %arg8[%swap3A_542, %swap3A_543], %swap3A_546 {strides = array<i32>} : memref<256x128xf32, #tpu.memory_space<vmem>>, vector<1x16xf32>,
      %get3A_547 = arith.index_cast %add3A_507 : i32 to index
      %get3A_548 = arith.constant 64 : index
      %get3A_549 = tpu.vector_load %arg8[%get3A_547, %get3A_548] {strides = array<i32>} : memref<256x128xf32, #tpu.memory_space<vmem>>, vector<1x16xf32>,
      %get3A_550 = vector.shape_cast %get3A_549 : vector<1x16xf32> to vector<16xf32>
      %add3A_551 = arith.addf %get3A_550, %get3A_493 : vector<16xf32>
      %swap3A_552 = arith.index_cast %add3A_507 : i32 to index
      %swap3A_553 = arith.constant 64 : index
      %swap3A_554 = tpu.vector_load %arg8[%swap3A_552, %swap3A_553] {strides = array<i32>} : memref<256x128xf32, #tpu.memory_space<vmem>>, vector<1x16xf32>,
      %swap3A_555 = vector.shape_cast %swap3A_554 : vector<1x16xf32> to vector<16xf32>
      %swap3A_556 = vector.shape_cast %add3A_551 : vector<16xf32> to vector<1x16xf32>
      tpu.vector_store %arg8[%swap3A_552, %swap3A_553], %swap3A_556 {strides = array<i32>} : memref<256x128xf32, #tpu.memory_space<vmem>>, vector<1x16xf32>,
      %get3A_557 = arith.index_cast %add3A_507 : i32 to index
      %get3A_558 = arith.constant 80 : index
      %get3A_559 = tpu.vector_load %arg8[%get3A_557, %get3A_558] {strides = array<i32>} : memref<256x128xf32, #tpu.memory_space<vmem>>, vector<1x16xf32>,
      %get3A_560 = vector.shape_cast %get3A_559 : vector<1x16xf32> to vector<16xf32>
      %add3A_561 = arith.addf %get3A_560, %get3A_497 : vector<16xf32>
      %swap3A_562 = arith.index_cast %add3A_507 : i32 to index
      %swap3A_563 = arith.constant 80 : index
      %swap3A_564 = tpu.vector_load %arg8[%swap3A_562, %swap3A_563] {strides = array<i32>} : memref<256x128xf32, #tpu.memory_space<vmem>>, vector<1x16xf32>,
      %swap3A_565 = vector.shape_cast %swap3A_564 : vector<1x16xf32> to vector<16xf32>
      %swap3A_566 = vector.shape_cast %add3A_561 : vector<16xf32> to vector<1x16xf32>
      tpu.vector_store %arg8[%swap3A_562, %swap3A_563], %swap3A_566 {strides = array<i32>} : memref<256x128xf32, #tpu.memory_space<vmem>>, vector<1x16xf32>,
      %get3A_567 = arith.index_cast %add3A_507 : i32 to index
      %get3A_568 = arith.constant 96 : index
      %get3A_569 = tpu.vector_load %arg8[%get3A_567, %get3A_568] {strides = array<i32>} : memref<256x128xf32, #tpu.memory_space<vmem>>, vector<1x16xf32>,
      %get3A_570 = vector.shape_cast %get3A_569 : vector<1x16xf32> to vector<16xf32>
      %add3A_571 = arith.addf %get3A_570, %get3A_501 : vector<16xf32>
      %swap3A_572 = arith.index_cast %add3A_507 : i32 to index
      %swap3A_573 = arith.constant 96 : index
      %swap3A_574 = tpu.vector_load %arg8[%swap3A_572, %swap3A_573] {strides = array<i32>} : memref<256x128xf32, #tpu.memory_space<vmem>>, vector<1x16xf32>,
      %swap3A_575 = vector.shape_cast %swap3A_574 : vector<1x16xf32> to vector<16xf32>
      %swap3A_576 = vector.shape_cast %add3A_571 : vector<16xf32> to vector<1x16xf32>
      tpu.vector_store %arg8[%swap3A_572, %swap3A_573], %swap3A_576 {strides = array<i32>} : memref<256x128xf32, #tpu.memory_space<vmem>>, vector<1x16xf32>,
      %get3A_577 = arith.index_cast %add3A_507 : i32 to index
      %get3A_578 = arith.constant 112 : index
      %get3A_579 = tpu.vector_load %arg8[%get3A_577, %get3A_578] {strides = array<i32>} : memref<256x128xf32, #tpu.memory_space<vmem>>, vector<1x16xf32>,
      %get3A_580 = vector.shape_cast %get3A_579 : vector<1x16xf32> to vector<16xf32>
      %add3A_581 = arith.addf %get3A_580, %get3A_505 : vector<16xf32>
      %swap3A_582 = arith.index_cast %add3A_507 : i32 to index
      %swap3A_583 = arith.constant 112 : index
      %swap3A_584 = tpu.vector_load %arg8[%swap3A_582, %swap3A_583] {strides = array<i32>} : memref<256x128xf32, #tpu.memory_space<vmem>>, vector<1x16xf32>,
      %swap3A_585 = vector.shape_cast %swap3A_584 : vector<1x16xf32> to vector<16xf32>
      %swap3A_586 = vector.shape_cast %add3A_581 : vector<16xf32> to vector<1x16xf32>
      tpu.vector_store %arg8[%swap3A_582, %swap3A_583], %swap3A_586 {strides = array<i32>} : memref<256x128xf32, #tpu.memory_space<vmem>>, vector<1x16xf32>,
      %add3A_587 = arith.constant 64 : i32
      %add3A_588 = arith.addi %add3A_587, %scan3A_474 : i32
      %get3A_589 = arith.index_cast %add3A_588 : i32 to index
      %get3A_590 = arith.constant 0 : index
      %get3A_591 = tpu.vector_load %arg8[%get3A_589, %get3A_590] {strides = array<i32>} : memref<256x128xf32, #tpu.memory_space<vmem>>, vector<1x16xf32>,
      %get3A_592 = vector.shape_cast %get3A_591 : vector<1x16xf32> to vector<16xf32>
      %add3A_593 = arith.addf %get3A_592, %get3A_477 : vector<16xf32>
      %swap3A_594 = arith.index_cast %add3A_588 : i32 to index
      %swap3A_595 = arith.constant 0 : index
      %swap3A_596 = tpu.vector_load %arg8[%swap3A_594, %swap3A_595] {strides = array<i32>} : memref<256x128xf32, #tpu.memory_space<vmem>>, vector<1x16xf32>,
      %swap3A_597 = vector.shape_cast %swap3A_596 : vector<1x16xf32> to vector<16xf32>
      %swap3A_598 = vector.shape_cast %add3A_593 : vector<16xf32> to vector<1x16xf32>
      tpu.vector_store %arg8[%swap3A_594, %swap3A_595], %swap3A_598 {strides = array<i32>} : memref<256x128xf32, #tpu.memory_space<vmem>>, vector<1x16xf32>,
      %get3A_599 = arith.index_cast %add3A_588 : i32 to index
      %get3A_600 = arith.constant 16 : index
      %get3A_601 = tpu.vector_load %arg8[%get3A_599, %get3A_600] {strides = array<i32>} : memref<256x128xf32, #tpu.memory_space<vmem>>, vector<1x16xf32>,
      %get3A_602 = vector.shape_cast %get3A_601 : vector<1x16xf32> to vector<16xf32>
      %add3A_603 = arith.addf %get3A_602, %get3A_481 : vector<16xf32>
      %swap3A_604 = arith.index_cast %add3A_588 : i32 to index
      %swap3A_605 = arith.constant 16 : index
      %swap3A_606 = tpu.vector_load %arg8[%swap3A_604, %swap3A_605] {strides = array<i32>} : memref<256x128xf32, #tpu.memory_space<vmem>>, vector<1x16xf32>,
      %swap3A_607 = vector.shape_cast %swap3A_606 : vector<1x16xf32> to vector<16xf32>
      %swap3A_608 = vector.shape_cast %add3A_603 : vector<16xf32> to vector<1x16xf32>
      tpu.vector_store %arg8[%swap3A_604, %swap3A_605], %swap3A_608 {strides = array<i32>} : memref<256x128xf32, #tpu.memory_space<vmem>>, vector<1x16xf32>,
      %get3A_609 = arith.index_cast %add3A_588 : i32 to index
      %get3A_610 = arith.constant 32 : index
      %get3A_611 = tpu.vector_load %arg8[%get3A_609, %get3A_610] {strides = array<i32>} : memref<256x128xf32, #tpu.memory_space<vmem>>, vector<1x16xf32>,
      %get3A_612 = vector.shape_cast %get3A_611 : vector<1x16xf32> to vector<16xf32>
      %add3A_613 = arith.addf %get3A_612, %get3A_485 : vector<16xf32>
      %swap3A_614 = arith.index_cast %add3A_588 : i32 to index
      %swap3A_615 = arith.constant 32 : index
      %swap3A_616 = tpu.vector_load %arg8[%swap3A_614, %swap3A_615] {strides = array<i32>} : memref<256x128xf32, #tpu.memory_space<vmem>>, vector<1x16xf32>,
      %swap3A_617 = vector.shape_cast %swap3A_616 : vector<1x16xf32> to vector<16xf32>
      %swap3A_618 = vector.shape_cast %add3A_613 : vector<16xf32> to vector<1x16xf32>
      tpu.vector_store %arg8[%swap3A_614, %swap3A_615], %swap3A_618 {strides = array<i32>} : memref<256x128xf32, #tpu.memory_space<vmem>>, vector<1x16xf32>,
      %get3A_619 = arith.index_cast %add3A_588 : i32 to index
      %get3A_620 = arith.constant 48 : index
      %get3A_621 = tpu.vector_load %arg8[%get3A_619, %get3A_620] {strides = array<i32>} : memref<256x128xf32, #tpu.memory_space<vmem>>, vector<1x16xf32>,
      %get3A_622 = vector.shape_cast %get3A_621 : vector<1x16xf32> to vector<16xf32>
      %add3A_623 = arith.addf %get3A_622, %get3A_489 : vector<16xf32>
      %swap3A_624 = arith.index_cast %add3A_588 : i32 to index
      %swap3A_625 = arith.constant 48 : index
      %swap3A_626 = tpu.vector_load %arg8[%swap3A_624, %swap3A_625] {strides = array<i32>} : memref<256x128xf32, #tpu.memory_space<vmem>>, vector<1x16xf32>,
      %swap3A_627 = vector.shape_cast %swap3A_626 : vector<1x16xf32> to vector<16xf32>
      %swap3A_628 = vector.shape_cast %add3A_623 : vector<16xf32> to vector<1x16xf32>
      tpu.vector_store %arg8[%swap3A_624, %swap3A_625], %swap3A_628 {strides = array<i32>} : memref<256x128xf32, #tpu.memory_space<vmem>>, vector<1x16xf32>,
      %get3A_629 = arith.index_cast %add3A_588 : i32 to index
      %get3A_630 = arith.constant 64 : index
      %get3A_631 = tpu.vector_load %arg8[%get3A_629, %get3A_630] {strides = array<i32>} : memref<256x128xf32, #tpu.memory_space<vmem>>, vector<1x16xf32>,
      %get3A_632 = vector.shape_cast %get3A_631 : vector<1x16xf32> to vector<16xf32>
      %add3A_633 = arith.addf %get3A_632, %get3A_493 : vector<16xf32>
      %swap3A_634 = arith.index_cast %add3A_588 : i32 to index
      %swap3A_635 = arith.constant 64 : index
      %swap3A_636 = tpu.vector_load %arg8[%swap3A_634, %swap3A_635] {strides = array<i32>} : memref<256x128xf32, #tpu.memory_space<vmem>>, vector<1x16xf32>,
      %swap3A_637 = vector.shape_cast %swap3A_636 : vector<1x16xf32> to vector<16xf32>
      %swap3A_638 = vector.shape_cast %add3A_633 : vector<16xf32> to vector<1x16xf32>
      tpu.vector_store %arg8[%swap3A_634, %swap3A_635], %swap3A_638 {strides = array<i32>} : memref<256x128xf32, #tpu.memory_space<vmem>>, vector<1x16xf32>,
      %get3A_639 = arith.index_cast %add3A_588 : i32 to index
      %get3A_640 = arith.constant 80 : index
      %get3A_641 = tpu.vector_load %arg8[%get3A_639, %get3A_640] {strides = array<i32>} : memref<256x128xf32, #tpu.memory_space<vmem>>, vector<1x16xf32>,
      %get3A_642 = vector.shape_cast %get3A_641 : vector<1x16xf32> to vector<16xf32>
      %add3A_643 = arith.addf %get3A_642, %get3A_497 : vector<16xf32>
      %swap3A_644 = arith.index_cast %add3A_588 : i32 to index
      %swap3A_645 = arith.constant 80 : index
      %swap3A_646 = tpu.vector_load %arg8[%swap3A_644, %swap3A_645] {strides = array<i32>} : memref<256x128xf32, #tpu.memory_space<vmem>>, vector<1x16xf32>,
      %swap3A_647 = vector.shape_cast %swap3A_646 : vector<1x16xf32> to vector<16xf32>
      %swap3A_648 = vector.shape_cast %add3A_643 : vector<16xf32> to vector<1x16xf32>
      tpu.vector_store %arg8[%swap3A_644, %swap3A_645], %swap3A_648 {strides = array<i32>} : memref<256x128xf32, #tpu.memory_space<vmem>>, vector<1x16xf32>,
      %get3A_649 = arith.index_cast %add3A_588 : i32 to index
      %get3A_650 = arith.constant 96 : index
      %get3A_651 = tpu.vector_load %arg8[%get3A_649, %get3A_650] {strides = array<i32>} : memref<256x128xf32, #tpu.memory_space<vmem>>, vector<1x16xf32>,
      %get3A_652 = vector.shape_cast %get3A_651 : vector<1x16xf32> to vector<16xf32>
      %add3A_653 = arith.addf %get3A_652, %get3A_501 : vector<16xf32>
      %swap3A_654 = arith.index_cast %add3A_588 : i32 to index
      %swap3A_655 = arith.constant 96 : index
      %swap3A_656 = tpu.vector_load %arg8[%swap3A_654, %swap3A_655] {strides = array<i32>} : memref<256x128xf32, #tpu.memory_space<vmem>>, vector<1x16xf32>,
      %swap3A_657 = vector.shape_cast %swap3A_656 : vector<1x16xf32> to vector<16xf32>
      %swap3A_658 = vector.shape_cast %add3A_653 : vector<16xf32> to vector<1x16xf32>
      tpu.vector_store %arg8[%swap3A_654, %swap3A_655], %swap3A_658 {strides = array<i32>} : memref<256x128xf32, #tpu.memory_space<vmem>>, vector<1x16xf32>,
      %get3A_659 = arith.index_cast %add3A_588 : i32 to index
      %get3A_660 = arith.constant 112 : index
      %get3A_661 = tpu.vector_load %arg8[%get3A_659, %get3A_660] {strides = array<i32>} : memref<256x128xf32, #tpu.memory_space<vmem>>, vector<1x16xf32>,
      %get3A_662 = vector.shape_cast %get3A_661 : vector<1x16xf32> to vector<16xf32>
      %add3A_663 = arith.addf %get3A_662, %get3A_505 : vector<16xf32>
      %swap3A_664 = arith.index_cast %add3A_588 : i32 to index
      %swap3A_665 = arith.constant 112 : index
      %swap3A_666 = tpu.vector_load %arg8[%swap3A_664, %swap3A_665] {strides = array<i32>} : memref<256x128xf32, #tpu.memory_space<vmem>>, vector<1x16xf32>,
      %swap3A_667 = vector.shape_cast %swap3A_666 : vector<1x16xf32> to vector<16xf32>
      %swap3A_668 = vector.shape_cast %add3A_663 : vector<16xf32> to vector<1x16xf32>
      tpu.vector_store %arg8[%swap3A_664, %swap3A_665], %swap3A_668 {strides = array<i32>} : memref<256x128xf32, #tpu.memory_space<vmem>>, vector<1x16xf32>,
      %add3A_669 = arith.constant 128 : i32
      %add3A_670 = arith.addi %add3A_669, %scan3A_474 : i32
      %get3A_671 = arith.index_cast %add3A_670 : i32 to index
      %get3A_672 = arith.constant 0 : index
      %get3A_673 = tpu.vector_load %arg8[%get3A_671, %get3A_672] {strides = array<i32>} : memref<256x128xf32, #tpu.memory_space<vmem>>, vector<1x16xf32>,
      %get3A_674 = vector.shape_cast %get3A_673 : vector<1x16xf32> to vector<16xf32>
      %add3A_675 = arith.addf %get3A_674, %get3A_477 : vector<16xf32>
      %swap3A_676 = arith.index_cast %add3A_670 : i32 to index
      %swap3A_677 = arith.constant 0 : index
      %swap3A_678 = tpu.vector_load %arg8[%swap3A_676, %swap3A_677] {strides = array<i32>} : memref<256x128xf32, #tpu.memory_space<vmem>>, vector<1x16xf32>,
      %swap3A_679 = vector.shape_cast %swap3A_678 : vector<1x16xf32> to vector<16xf32>
      %swap3A_680 = vector.shape_cast %add3A_675 : vector<16xf32> to vector<1x16xf32>
      tpu.vector_store %arg8[%swap3A_676, %swap3A_677], %swap3A_680 {strides = array<i32>} : memref<256x128xf32, #tpu.memory_space<vmem>>, vector<1x16xf32>,
      %get3A_681 = arith.index_cast %add3A_670 : i32 to index
      %get3A_682 = arith.constant 16 : index
      %get3A_683 = tpu.vector_load %arg8[%get3A_681, %get3A_682] {strides = array<i32>} : memref<256x128xf32, #tpu.memory_space<vmem>>, vector<1x16xf32>,
      %get3A_684 = vector.shape_cast %get3A_683 : vector<1x16xf32> to vector<16xf32>
      %add3A_685 = arith.addf %get3A_684, %get3A_481 : vector<16xf32>
      %swap3A_686 = arith.index_cast %add3A_670 : i32 to index
      %swap3A_687 = arith.constant 16 : index
      %swap3A_688 = tpu.vector_load %arg8[%swap3A_686, %swap3A_687] {strides = array<i32>} : memref<256x128xf32, #tpu.memory_space<vmem>>, vector<1x16xf32>,
      %swap3A_689 = vector.shape_cast %swap3A_688 : vector<1x16xf32> to vector<16xf32>
      %swap3A_690 = vector.shape_cast %add3A_685 : vector<16xf32> to vector<1x16xf32>
      tpu.vector_store %arg8[%swap3A_686, %swap3A_687], %swap3A_690 {strides = array<i32>} : memref<256x128xf32, #tpu.memory_space<vmem>>, vector<1x16xf32>,
      %get3A_691 = arith.index_cast %add3A_670 : i32 to index
      %get3A_692 = arith.constant 32 : index
      %get3A_693 = tpu.vector_load %arg8[%get3A_691, %get3A_692] {strides = array<i32>} : memref<256x128xf32, #tpu.memory_space<vmem>>, vector<1x16xf32>,
      %get3A_694 = vector.shape_cast %get3A_693 : vector<1x16xf32> to vector<16xf32>
      %add3A_695 = arith.addf %get3A_694, %get3A_485 : vector<16xf32>
      %swap3A_696 = arith.index_cast %add3A_670 : i32 to index
      %swap3A_697 = arith.constant 32 : index
      %swap3A_698 = tpu.vector_load %arg8[%swap3A_696, %swap3A_697] {strides = array<i32>} : memref<256x128xf32, #tpu.memory_space<vmem>>, vector<1x16xf32>,
      %swap3A_699 = vector.shape_cast %swap3A_698 : vector<1x16xf32> to vector<16xf32>
      %swap3A_700 = vector.shape_cast %add3A_695 : vector<16xf32> to vector<1x16xf32>
      tpu.vector_store %arg8[%swap3A_696, %swap3A_697], %swap3A_700 {strides = array<i32>} : memref<256x128xf32, #tpu.memory_space<vmem>>, vector<1x16xf32>,
      %get3A_701 = arith.index_cast %add3A_670 : i32 to index
      %get3A_702 = arith.constant 48 : index
      %get3A_703 = tpu.vector_load %arg8[%get3A_701, %get3A_702] {strides = array<i32>} : memref<256x128xf32, #tpu.memory_space<vmem>>, vector<1x16xf32>,
      %get3A_704 = vector.shape_cast %get3A_703 : vector<1x16xf32> to vector<16xf32>
      %add3A_705 = arith.addf %get3A_704, %get3A_489 : vector<16xf32>
      %swap3A_706 = arith.index_cast %add3A_670 : i32 to index
      %swap3A_707 = arith.constant 48 : index
      %swap3A_708 = tpu.vector_load %arg8[%swap3A_706, %swap3A_707] {strides = array<i32>} : memref<256x128xf32, #tpu.memory_space<vmem>>, vector<1x16xf32>,
      %swap3A_709 = vector.shape_cast %swap3A_708 : vector<1x16xf32> to vector<16xf32>
      %swap3A_710 = vector.shape_cast %add3A_705 : vector<16xf32> to vector<1x16xf32>
      tpu.vector_store %arg8[%swap3A_706, %swap3A_707], %swap3A_710 {strides = array<i32>} : memref<256x128xf32, #tpu.memory_space<vmem>>, vector<1x16xf32>,
      %get3A_711 = arith.index_cast %add3A_670 : i32 to index
      %get3A_712 = arith.constant 64 : index
      %get3A_713 = tpu.vector_load %arg8[%get3A_711, %get3A_712] {strides = array<i32>} : memref<256x128xf32, #tpu.memory_space<vmem>>, vector<1x16xf32>,
      %get3A_714 = vector.shape_cast %get3A_713 : vector<1x16xf32> to vector<16xf32>
      %add3A_715 = arith.addf %get3A_714, %get3A_493 : vector<16xf32>
      %swap3A_716 = arith.index_cast %add3A_670 : i32 to index
      %swap3A_717 = arith.constant 64 : index
      %swap3A_718 = tpu.vector_load %arg8[%swap3A_716, %swap3A_717] {strides = array<i32>} : memref<256x128xf32, #tpu.memory_space<vmem>>, vector<1x16xf32>,
      %swap3A_719 = vector.shape_cast %swap3A_718 : vector<1x16xf32> to vector<16xf32>
      %swap3A_720 = vector.shape_cast %add3A_715 : vector<16xf32> to vector<1x16xf32>
      tpu.vector_store %arg8[%swap3A_716, %swap3A_717], %swap3A_720 {strides = array<i32>} : memref<256x128xf32, #tpu.memory_space<vmem>>, vector<1x16xf32>,
      %get3A_721 = arith.index_cast %add3A_670 : i32 to index
      %get3A_722 = arith.constant 80 : index
      %get3A_723 = tpu.vector_load %arg8[%get3A_721, %get3A_722] {strides = array<i32>} : memref<256x128xf32, #tpu.memory_space<vmem>>, vector<1x16xf32>,
      %get3A_724 = vector.shape_cast %get3A_723 : vector<1x16xf32> to vector<16xf32>
      %add3A_725 = arith.addf %get3A_724, %get3A_497 : vector<16xf32>
      %swap3A_726 = arith.index_cast %add3A_670 : i32 to index
      %swap3A_727 = arith.constant 80 : index
      %swap3A_728 = tpu.vector_load %arg8[%swap3A_726, %swap3A_727] {strides = array<i32>} : memref<256x128xf32, #tpu.memory_space<vmem>>, vector<1x16xf32>,
      %swap3A_729 = vector.shape_cast %swap3A_728 : vector<1x16xf32> to vector<16xf32>
      %swap3A_730 = vector.shape_cast %add3A_725 : vector<16xf32> to vector<1x16xf32>
      tpu.vector_store %arg8[%swap3A_726, %swap3A_727], %swap3A_730 {strides = array<i32>} : memref<256x128xf32, #tpu.memory_space<vmem>>, vector<1x16xf32>,
      %get3A_731 = arith.index_cast %add3A_670 : i32 to index
      %get3A_732 = arith.constant 96 : index
      %get3A_733 = tpu.vector_load %arg8[%get3A_731, %get3A_732] {strides = array<i32>} : memref<256x128xf32, #tpu.memory_space<vmem>>, vector<1x16xf32>,
      %get3A_734 = vector.shape_cast %get3A_733 : vector<1x16xf32> to vector<16xf32>
      %add3A_735 = arith.addf %get3A_734, %get3A_501 : vector<16xf32>
      %swap3A_736 = arith.index_cast %add3A_670 : i32 to index
      %swap3A_737 = arith.constant 96 : index
      %swap3A_738 = tpu.vector_load %arg8[%swap3A_736, %swap3A_737] {strides = array<i32>} : memref<256x128xf32, #tpu.memory_space<vmem>>, vector<1x16xf32>,
      %swap3A_739 = vector.shape_cast %swap3A_738 : vector<1x16xf32> to vector<16xf32>
      %swap3A_740 = vector.shape_cast %add3A_735 : vector<16xf32> to vector<1x16xf32>
      tpu.vector_store %arg8[%swap3A_736, %swap3A_737], %swap3A_740 {strides = array<i32>} : memref<256x128xf32, #tpu.memory_space<vmem>>, vector<1x16xf32>,
      %get3A_741 = arith.index_cast %add3A_670 : i32 to index
      %get3A_742 = arith.constant 112 : index
      %get3A_743 = tpu.vector_load %arg8[%get3A_741, %get3A_742] {strides = array<i32>} : memref<256x128xf32, #tpu.memory_space<vmem>>, vector<1x16xf32>,
      %get3A_744 = vector.shape_cast %get3A_743 : vector<1x16xf32> to vector<16xf32>
      %add3A_745 = arith.addf %get3A_744, %get3A_505 : vector<16xf32>
      %swap3A_746 = arith.index_cast %add3A_670 : i32 to index
      %swap3A_747 = arith.constant 112 : index
      %swap3A_748 = tpu.vector_load %arg8[%swap3A_746, %swap3A_747] {strides = array<i32>} : memref<256x128xf32, #tpu.memory_space<vmem>>, vector<1x16xf32>,
      %swap3A_749 = vector.shape_cast %swap3A_748 : vector<1x16xf32> to vector<16xf32>
      %swap3A_750 = vector.shape_cast %add3A_745 : vector<16xf32> to vector<1x16xf32>
      tpu.vector_store %arg8[%swap3A_746, %swap3A_747], %swap3A_750 {strides = array<i32>} : memref<256x128xf32, #tpu.memory_space<vmem>>, vector<1x16xf32>,
      %add3A_751 = arith.constant 192 : i32
      %add3A_752 = arith.addi %add3A_751, %scan3A_474 : i32
      %get3A_753 = arith.index_cast %add3A_752 : i32 to index
      %get3A_754 = arith.constant 0 : index
      %get3A_755 = tpu.vector_load %arg8[%get3A_753, %get3A_754] {strides = array<i32>} : memref<256x128xf32, #tpu.memory_space<vmem>>, vector<1x16xf32>,
      %get3A_756 = vector.shape_cast %get3A_755 : vector<1x16xf32> to vector<16xf32>
      %add3A_757 = arith.addf %get3A_756, %get3A_477 : vector<16xf32>
      %swap3A_758 = arith.index_cast %add3A_752 : i32 to index
      %swap3A_759 = arith.constant 0 : index
      %swap3A_760 = tpu.vector_load %arg8[%swap3A_758, %swap3A_759] {strides = array<i32>} : memref<256x128xf32, #tpu.memory_space<vmem>>, vector<1x16xf32>,
      %swap3A_761 = vector.shape_cast %swap3A_760 : vector<1x16xf32> to vector<16xf32>
      %swap3A_762 = vector.shape_cast %add3A_757 : vector<16xf32> to vector<1x16xf32>
      tpu.vector_store %arg8[%swap3A_758, %swap3A_759], %swap3A_762 {strides = array<i32>} : memref<256x128xf32, #tpu.memory_space<vmem>>, vector<1x16xf32>,
      %get3A_763 = arith.index_cast %add3A_752 : i32 to index
      %get3A_764 = arith.constant 16 : index
      %get3A_765 = tpu.vector_load %arg8[%get3A_763, %get3A_764] {strides = array<i32>} : memref<256x128xf32, #tpu.memory_space<vmem>>, vector<1x16xf32>,
      %get3A_766 = vector.shape_cast %get3A_765 : vector<1x16xf32> to vector<16xf32>
      %add3A_767 = arith.addf %get3A_766, %get3A_481 : vector<16xf32>
      %swap3A_768 = arith.index_cast %add3A_752 : i32 to index
      %swap3A_769 = arith.constant 16 : index
      %swap3A_770 = tpu.vector_load %arg8[%swap3A_768, %swap3A_769] {strides = array<i32>} : memref<256x128xf32, #tpu.memory_space<vmem>>, vector<1x16xf32>,
      %swap3A_771 = vector.shape_cast %swap3A_770 : vector<1x16xf32> to vector<16xf32>
      %swap3A_772 = vector.shape_cast %add3A_767 : vector<16xf32> to vector<1x16xf32>
      tpu.vector_store %arg8[%swap3A_768, %swap3A_769], %swap3A_772 {strides = array<i32>} : memref<256x128xf32, #tpu.memory_space<vmem>>, vector<1x16xf32>,
      %get3A_773 = arith.index_cast %add3A_752 : i32 to index
      %get3A_774 = arith.constant 32 : index
      %get3A_775 = tpu.vector_load %arg8[%get3A_773, %get3A_774] {strides = array<i32>} : memref<256x128xf32, #tpu.memory_space<vmem>>, vector<1x16xf32>,
      %get3A_776 = vector.shape_cast %get3A_775 : vector<1x16xf32> to vector<16xf32>
      %add3A_777 = arith.addf %get3A_776, %get3A_485 : vector<16xf32>
      %swap3A_778 = arith.index_cast %add3A_752 : i32 to index
      %swap3A_779 = arith.constant 32 : index
      %swap3A_780 = tpu.vector_load %arg8[%swap3A_778, %swap3A_779] {strides = array<i32>} : memref<256x128xf32, #tpu.memory_space<vmem>>, vector<1x16xf32>,
      %swap3A_781 = vector.shape_cast %swap3A_780 : vector<1x16xf32> to vector<16xf32>
      %swap3A_782 = vector.shape_cast %add3A_777 : vector<16xf32> to vector<1x16xf32>
      tpu.vector_store %arg8[%swap3A_778, %swap3A_779], %swap3A_782 {strides = array<i32>} : memref<256x128xf32, #tpu.memory_space<vmem>>, vector<1x16xf32>,
      %get3A_783 = arith.index_cast %add3A_752 : i32 to index
      %get3A_784 = arith.constant 48 : index
      %get3A_785 = tpu.vector_load %arg8[%get3A_783, %get3A_784] {strides = array<i32>} : memref<256x128xf32, #tpu.memory_space<vmem>>, vector<1x16xf32>,
      %get3A_786 = vector.shape_cast %get3A_785 : vector<1x16xf32> to vector<16xf32>
      %add3A_787 = arith.addf %get3A_786, %get3A_489 : vector<16xf32>
      %swap3A_788 = arith.index_cast %add3A_752 : i32 to index
      %swap3A_789 = arith.constant 48 : index
      %swap3A_790 = tpu.vector_load %arg8[%swap3A_788, %swap3A_789] {strides = array<i32>} : memref<256x128xf32, #tpu.memory_space<vmem>>, vector<1x16xf32>,
      %swap3A_791 = vector.shape_cast %swap3A_790 : vector<1x16xf32> to vector<16xf32>
      %swap3A_792 = vector.shape_cast %add3A_787 : vector<16xf32> to vector<1x16xf32>
      tpu.vector_store %arg8[%swap3A_788, %swap3A_789], %swap3A_792 {strides = array<i32>} : memref<256x128xf32, #tpu.memory_space<vmem>>, vector<1x16xf32>,
      %get3A_793 = arith.index_cast %add3A_752 : i32 to index
      %get3A_794 = arith.constant 64 : index
      %get3A_795 = tpu.vector_load %arg8[%get3A_793, %get3A_794] {strides = array<i32>} : memref<256x128xf32, #tpu.memory_space<vmem>>, vector<1x16xf32>,
      %get3A_796 = vector.shape_cast %get3A_795 : vector<1x16xf32> to vector<16xf32>
      %add3A_797 = arith.addf %get3A_796, %get3A_493 : vector<16xf32>
      %swap3A_798 = arith.index_cast %add3A_752 : i32 to index
      %swap3A_799 = arith.constant 64 : index
      %swap3A_800 = tpu.vector_load %arg8[%swap3A_798, %swap3A_799] {strides = array<i32>} : memref<256x128xf32, #tpu.memory_space<vmem>>, vector<1x16xf32>,
      %swap3A_801 = vector.shape_cast %swap3A_800 : vector<1x16xf32> to vector<16xf32>
      %swap3A_802 = vector.shape_cast %add3A_797 : vector<16xf32> to vector<1x16xf32>
      tpu.vector_store %arg8[%swap3A_798, %swap3A_799], %swap3A_802 {strides = array<i32>} : memref<256x128xf32, #tpu.memory_space<vmem>>, vector<1x16xf32>,
      %get3A_803 = arith.index_cast %add3A_752 : i32 to index
      %get3A_804 = arith.constant 80 : index
      %get3A_805 = tpu.vector_load %arg8[%get3A_803, %get3A_804] {strides = array<i32>} : memref<256x128xf32, #tpu.memory_space<vmem>>, vector<1x16xf32>,
      %get3A_806 = vector.shape_cast %get3A_805 : vector<1x16xf32> to vector<16xf32>
      %add3A_807 = arith.addf %get3A_806, %get3A_497 : vector<16xf32>
      %swap3A_808 = arith.index_cast %add3A_752 : i32 to index
      %swap3A_809 = arith.constant 80 : index
      %swap3A_810 = tpu.vector_load %arg8[%swap3A_808, %swap3A_809] {strides = array<i32>} : memref<256x128xf32, #tpu.memory_space<vmem>>, vector<1x16xf32>,
      %swap3A_811 = vector.shape_cast %swap3A_810 : vector<1x16xf32> to vector<16xf32>
      %swap3A_812 = vector.shape_cast %add3A_807 : vector<16xf32> to vector<1x16xf32>
      tpu.vector_store %arg8[%swap3A_808, %swap3A_809], %swap3A_812 {strides = array<i32>} : memref<256x128xf32, #tpu.memory_space<vmem>>, vector<1x16xf32>,
      %get3A_813 = arith.index_cast %add3A_752 : i32 to index
      %get3A_814 = arith.constant 96 : index
      %get3A_815 = tpu.vector_load %arg8[%get3A_813, %get3A_814] {strides = array<i32>} : memref<256x128xf32, #tpu.memory_space<vmem>>, vector<1x16xf32>,
      %get3A_816 = vector.shape_cast %get3A_815 : vector<1x16xf32> to vector<16xf32>
      %add3A_817 = arith.addf %get3A_816, %get3A_501 : vector<16xf32>
      %swap3A_818 = arith.index_cast %add3A_752 : i32 to index
      %swap3A_819 = arith.constant 96 : index
      %swap3A_820 = tpu.vector_load %arg8[%swap3A_818, %swap3A_819] {strides = array<i32>} : memref<256x128xf32, #tpu.memory_space<vmem>>, vector<1x16xf32>,
      %swap3A_821 = vector.shape_cast %swap3A_820 : vector<1x16xf32> to vector<16xf32>
      %swap3A_822 = vector.shape_cast %add3A_817 : vector<16xf32> to vector<1x16xf32>
      tpu.vector_store %arg8[%swap3A_818, %swap3A_819], %swap3A_822 {strides = array<i32>} : memref<256x128xf32, #tpu.memory_space<vmem>>, vector<1x16xf32>,
      %get3A_823 = arith.index_cast %add3A_752 : i32 to index
      %get3A_824 = arith.constant 112 : index
      %get3A_825 = tpu.vector_load %arg8[%get3A_823, %get3A_824] {strides = array<i32>} : memref<256x128xf32, #tpu.memory_space<vmem>>, vector<1x16xf32>,
      %get3A_826 = vector.shape_cast %get3A_825 : vector<1x16xf32> to vector<16xf32>
      %add3A_827 = arith.addf %get3A_826, %get3A_505 : vector<16xf32>
      %swap3A_828 = arith.index_cast %add3A_752 : i32 to index
      %swap3A_829 = arith.constant 112 : index
      %swap3A_830 = tpu.vector_load %arg8[%swap3A_828, %swap3A_829] {strides = array<i32>} : memref<256x128xf32, #tpu.memory_space<vmem>>, vector<1x16xf32>,
      %swap3A_831 = vector.shape_cast %swap3A_830 : vector<1x16xf32> to vector<16xf32>
      %swap3A_832 = vector.shape_cast %add3A_827 : vector<16xf32> to vector<1x16xf32>
      tpu.vector_store %arg8[%swap3A_828, %swap3A_829], %swap3A_832 {strides = array<i32>} : memref<256x128xf32, #tpu.memory_space<vmem>>, vector<1x16xf32>,
    }
    %scan3A_201 = arith.constant 16 : i32
    %add3A_202 = arith.constant 0 : i32
    %add3A_203 = arith.addi %add3A_202, %mul3A_2 : i32
    %add3A_204 = arith.constant 16 : i32
    %add3A_205 = arith.addi %add3A_203, %add3A_204 : i32
    %dma_start3A_206 = arith.constant 16 : i32
    %dma_start3A_207 = arith.constant 0 : i32
    %dma_start3A_208 = tpu.memref_slice %arg8[%dma_start3A_206, %dma_start3A_207] : memref<256x128xf32, #tpu.memory_space<vmem>> -> memref<16x128xf32, #tpu.memory_space<vmem>>
    %dma_start3A_209 = arith.constant 0 : i32
    %dma_start3A_210 = tpu.memref_slice %arg5[%add3A_205, %dma_start3A_209] : memref<8192x128xf32, #tpu.memory_space<hbm>> -> memref<16x128xf32, #tpu.memory_space<hbm>>
    %dma_start3A_211 = arith.constant 0 : i32
    %dma_start3A_212 = tpu.memref_slice %arg5[%add3A_205, %dma_start3A_211] : memref<8192x128xf32, #tpu.memory_space<hbm>> -> memref<16x128xf32, #tpu.memory_space<hbm>>
    %dma_start3A_213 = arith.constant 16 : i32
    %dma_start3A_214 = arith.constant 0 : i32
    %dma_start3A_215 = tpu.memref_slice %arg8[%dma_start3A_213, %dma_start3A_214] : memref<256x128xf32, #tpu.memory_space<vmem>> -> memref<16x128xf32, #tpu.memory_space<vmem>>
    tpu.enqueue_dma source(%dma_start3A_215 : memref<16x128xf32, #tpu.memory_space<vmem>>) target(%dma_start3A_212 : memref<16x128xf32, #tpu.memory_space<hbm>>) target_semaphore(%arg18 : memref<!tpu.dma_semaphore, #tpu.memory_space<semaphore_mem>>)
    %add3A_216 = arith.constant 2048 : i32
    %add3A_217 = arith.addi %add3A_216, %mul3A_2 : i32
    %add3A_218 = arith.constant 16 : i32
    %add3A_219 = arith.addi %add3A_217, %add3A_218 : i32
    %dma_start3A_220 = arith.constant 80 : i32
    %dma_start3A_221 = arith.constant 0 : i32
    %dma_start3A_222 = tpu.memref_slice %arg8[%dma_start3A_220, %dma_start3A_221] : memref<256x128xf32, #tpu.memory_space<vmem>> -> memref<16x128xf32, #tpu.memory_space<vmem>>
    %dma_start3A_223 = arith.constant 0 : i32
    %dma_start3A_224 = tpu.memref_slice %arg5[%add3A_219, %dma_start3A_223] : memref<8192x128xf32, #tpu.memory_space<hbm>> -> memref<16x128xf32, #tpu.memory_space<hbm>>
    %dma_start3A_225 = arith.constant 0 : i32
    %dma_start3A_226 = tpu.memref_slice %arg5[%add3A_219, %dma_start3A_225] : memref<8192x128xf32, #tpu.memory_space<hbm>> -> memref<16x128xf32, #tpu.memory_space<hbm>>
    %dma_start3A_227 = arith.constant 80 : i32
    %dma_start3A_228 = arith.constant 0 : i32
    %dma_start3A_229 = tpu.memref_slice %arg8[%dma_start3A_227, %dma_start3A_228] : memref<256x128xf32, #tpu.memory_space<vmem>> -> memref<16x128xf32, #tpu.memory_space<vmem>>
    tpu.enqueue_dma source(%dma_start3A_229 : memref<16x128xf32, #tpu.memory_space<vmem>>) target(%dma_start3A_226 : memref<16x128xf32, #tpu.memory_space<hbm>>) target_semaphore(%arg18 : memref<!tpu.dma_semaphore, #tpu.memory_space<semaphore_mem>>)
    %add3A_230 = arith.constant 4096 : i32
    %add3A_231 = arith.addi %add3A_230, %mul3A_2 : i32
    %add3A_232 = arith.constant 16 : i32
    %add3A_233 = arith.addi %add3A_231, %add3A_232 : i32
    %dma_start3A_234 = arith.constant 144 : i32
    %dma_start3A_235 = arith.constant 0 : i32
    %dma_start3A_236 = tpu.memref_slice %arg8[%dma_start3A_234, %dma_start3A_235] : memref<256x128xf32, #tpu.memory_space<vmem>> -> memref<16x128xf32, #tpu.memory_space<vmem>>
    %dma_start3A_237 = arith.constant 0 : i32
    %dma_start3A_238 = tpu.memref_slice %arg5[%add3A_233, %dma_start3A_237] : memref<8192x128xf32, #tpu.memory_space<hbm>> -> memref<16x128xf32, #tpu.memory_space<hbm>>
    %dma_start3A_239 = arith.constant 0 : i32
    %dma_start3A_240 = tpu.memref_slice %arg5[%add3A_233, %dma_start3A_239] : memref<8192x128xf32, #tpu.memory_space<hbm>> -> memref<16x128xf32, #tpu.memory_space<hbm>>
    %dma_start3A_241 = arith.constant 144 : i32
    %dma_start3A_242 = arith.constant 0 : i32
    %dma_start3A_243 = tpu.memref_slice %arg8[%dma_start3A_241, %dma_start3A_242] : memref<256x128xf32, #tpu.memory_space<vmem>> -> memref<16x128xf32, #tpu.memory_space<vmem>>
    tpu.enqueue_dma source(%dma_start3A_243 : memref<16x128xf32, #tpu.memory_space<vmem>>) target(%dma_start3A_240 : memref<16x128xf32, #tpu.memory_space<hbm>>) target_semaphore(%arg18 : memref<!tpu.dma_semaphore, #tpu.memory_space<semaphore_mem>>)
    %add3A_244 = arith.constant 6144 : i32
    %add3A_245 = arith.addi %add3A_244, %mul3A_2 : i32
    %add3A_246 = arith.constant 16 : i32
    %add3A_247 = arith.addi %add3A_245, %add3A_246 : i32
    %dma_start3A_248 = arith.constant 208 : i32
    %dma_start3A_249 = arith.constant 0 : i32
    %dma_start3A_250 = tpu.memref_slice %arg8[%dma_start3A_248, %dma_start3A_249] : memref<256x128xf32, #tpu.memory_space<vmem>> -> memref<16x128xf32, #tpu.memory_space<vmem>>
    %dma_start3A_251 = arith.constant 0 : i32
    %dma_start3A_252 = tpu.memref_slice %arg5[%add3A_247, %dma_start3A_251] : memref<8192x128xf32, #tpu.memory_space<hbm>> -> memref<16x128xf32, #tpu.memory_space<hbm>>
    %dma_start3A_253 = arith.constant 0 : i32
    %dma_start3A_254 = tpu.memref_slice %arg5[%add3A_247, %dma_start3A_253] : memref<8192x128xf32, #tpu.memory_space<hbm>> -> memref<16x128xf32, #tpu.memory_space<hbm>>
    %dma_start3A_255 = arith.constant 208 : i32
    %dma_start3A_256 = arith.constant 0 : i32
    %dma_start3A_257 = tpu.memref_slice %arg8[%dma_start3A_255, %dma_start3A_256] : memref<256x128xf32, #tpu.memory_space<vmem>> -> memref<16x128xf32, #tpu.memory_space<vmem>>
    tpu.enqueue_dma source(%dma_start3A_257 : memref<16x128xf32, #tpu.memory_space<vmem>>) target(%dma_start3A_254 : memref<16x128xf32, #tpu.memory_space<hbm>>) target_semaphore(%arg18 : memref<!tpu.dma_semaphore, #tpu.memory_space<semaphore_mem>>)
    %dma_wait3A_258 = arith.constant 0 : i32
    %dma_wait3A_259 = arith.constant 32 : i32
    %dma_wait3A_260 = arith.constant 0 : i32
    %dma_wait3A_261 = tpu.memref_slice %arg8[%dma_wait3A_259, %dma_wait3A_260] : memref<256x128xf32, #tpu.memory_space<vmem>> -> memref<32x128xf32, #tpu.memory_space<vmem>>
    %dma_wait3A_262 = arith.constant 32 : i32
    %dma_wait3A_263 = tpu.memref_slice %arg6[%dma_wait3A_258, %dma_wait3A_262] : memref<4x64xi32, #tpu.memory_space<vmem>> -> memref<1x32xi32, #tpu.memory_space<vmem>>
    %dma_wait3A_264 = tpu.memref_squeeze %dma_wait3A_263 : memref<1x32xi32, #tpu.memory_space<vmem>> -> memref<32xi32, #tpu.memory_space<vmem>>
    %dma_wait3A_265 = arith.constant 0 : i32
    %dma_wait3A_266 = arith.constant 0 : i32
    %dma_wait3A_267 = tpu.memref_slice %arg3[%dma_wait3A_265, %dma_wait3A_266] : memref<100000x128xf32, #tpu.memory_space<hbm>> -> memref<100000x128xf32, #tpu.memory_space<hbm>>
    tpu.wait_indirect_dma semaphore(%arg14 : memref<!tpu.dma_semaphore, #tpu.memory_space<semaphore_mem>>) src(%dma_wait3A_267 : memref<100000x128xf32, #tpu.memory_space<hbm>>) dst(%dma_wait3A_261 : memref<32x128xf32, #tpu.memory_space<vmem>>)
    %add3A_268 = arith.constant 0 : i32
    %add3A_269 = arith.addi %add3A_268, %mul3A_2 : i32
    %add3A_270 = arith.constant 32 : i32
    %add3A_271 = arith.addi %add3A_269, %add3A_270 : i32
    %dma_start3A_272 = arith.constant 32 : i32
    %dma_start3A_273 = arith.constant 0 : i32
    %dma_start3A_274 = tpu.memref_slice %arg8[%dma_start3A_272, %dma_start3A_273] : memref<256x128xf32, #tpu.memory_space<vmem>> -> memref<32x128xf32, #tpu.memory_space<vmem>>
    %dma_start3A_275 = arith.constant 0 : i32
    %dma_start3A_276 = tpu.memref_slice %arg5[%add3A_271, %dma_start3A_275] : memref<8192x128xf32, #tpu.memory_space<hbm>> -> memref<32x128xf32, #tpu.memory_space<hbm>>
    %dma_start3A_277 = arith.constant 0 : i32
    %dma_start3A_278 = tpu.memref_slice %arg5[%add3A_271, %dma_start3A_277] : memref<8192x128xf32, #tpu.memory_space<hbm>> -> memref<32x128xf32, #tpu.memory_space<hbm>>
    %dma_start3A_279 = arith.constant 32 : i32
    %dma_start3A_280 = arith.constant 0 : i32
    %dma_start3A_281 = tpu.memref_slice %arg8[%dma_start3A_279, %dma_start3A_280] : memref<256x128xf32, #tpu.memory_space<vmem>> -> memref<32x128xf32, #tpu.memory_space<vmem>>
    tpu.enqueue_dma source(%dma_start3A_281 : memref<32x128xf32, #tpu.memory_space<vmem>>) target(%dma_start3A_278 : memref<32x128xf32, #tpu.memory_space<hbm>>) target_semaphore(%arg18 : memref<!tpu.dma_semaphore, #tpu.memory_space<semaphore_mem>>)
    %dma_wait3A_282 = arith.constant 1 : i32
    %dma_wait3A_283 = arith.constant 96 : i32
    %dma_wait3A_284 = arith.constant 0 : i32
    %dma_wait3A_285 = tpu.memref_slice %arg8[%dma_wait3A_283, %dma_wait3A_284] : memref<256x128xf32, #tpu.memory_space<vmem>> -> memref<32x128xf32, #tpu.memory_space<vmem>>
    %dma_wait3A_286 = arith.constant 32 : i32
    %dma_wait3A_287 = tpu.memref_slice %arg6[%dma_wait3A_282, %dma_wait3A_286] : memref<4x64xi32, #tpu.memory_space<vmem>> -> memref<1x32xi32, #tpu.memory_space<vmem>>
    %dma_wait3A_288 = tpu.memref_squeeze %dma_wait3A_287 : memref<1x32xi32, #tpu.memory_space<vmem>> -> memref<32xi32, #tpu.memory_space<vmem>>
    %dma_wait3A_289 = arith.constant 0 : i32
    %dma_wait3A_290 = arith.constant 0 : i32
    %dma_wait3A_291 = tpu.memref_slice %arg3[%dma_wait3A_289, %dma_wait3A_290] : memref<100000x128xf32, #tpu.memory_space<hbm>> -> memref<100000x128xf32, #tpu.memory_space<hbm>>
    tpu.wait_indirect_dma semaphore(%arg15 : memref<!tpu.dma_semaphore, #tpu.memory_space<semaphore_mem>>) src(%dma_wait3A_291 : memref<100000x128xf32, #tpu.memory_space<hbm>>) dst(%dma_wait3A_285 : memref<32x128xf32, #tpu.memory_space<vmem>>)
    %add3A_292 = arith.constant 2048 : i32
    %add3A_293 = arith.addi %add3A_292, %mul3A_2 : i32
    %add3A_294 = arith.constant 32 : i32
    %add3A_295 = arith.addi %add3A_293, %add3A_294 : i32
    %dma_start3A_296 = arith.constant 96 : i32
    %dma_start3A_297 = arith.constant 0 : i32
    %dma_start3A_298 = tpu.memref_slice %arg8[%dma_start3A_296, %dma_start3A_297] : memref<256x128xf32, #tpu.memory_space<vmem>> -> memref<32x128xf32, #tpu.memory_space<vmem>>
    %dma_start3A_299 = arith.constant 0 : i32
    %dma_start3A_300 = tpu.memref_slice %arg5[%add3A_295, %dma_start3A_299] : memref<8192x128xf32, #tpu.memory_space<hbm>> -> memref<32x128xf32, #tpu.memory_space<hbm>>
    %dma_start3A_301 = arith.constant 0 : i32
    %dma_start3A_302 = tpu.memref_slice %arg5[%add3A_295, %dma_start3A_301] : memref<8192x128xf32, #tpu.memory_space<hbm>> -> memref<32x128xf32, #tpu.memory_space<hbm>>
    %dma_start3A_303 = arith.constant 96 : i32
    %dma_start3A_304 = arith.constant 0 : i32
    %dma_start3A_305 = tpu.memref_slice %arg8[%dma_start3A_303, %dma_start3A_304] : memref<256x128xf32, #tpu.memory_space<vmem>> -> memref<32x128xf32, #tpu.memory_space<vmem>>
    tpu.enqueue_dma source(%dma_start3A_305 : memref<32x128xf32, #tpu.memory_space<vmem>>) target(%dma_start3A_302 : memref<32x128xf32, #tpu.memory_space<hbm>>) target_semaphore(%arg18 : memref<!tpu.dma_semaphore, #tpu.memory_space<semaphore_mem>>)
    %dma_wait3A_306 = arith.constant 2 : i32
    %dma_wait3A_307 = arith.constant 160 : i32
    %dma_wait3A_308 = arith.constant 0 : i32
    %dma_wait3A_309 = tpu.memref_slice %arg8[%dma_wait3A_307, %dma_wait3A_308] : memref<256x128xf32, #tpu.memory_space<vmem>> -> memref<32x128xf32, #tpu.memory_space<vmem>>
    %dma_wait3A_310 = arith.constant 32 : i32
    %dma_wait3A_311 = tpu.memref_slice %arg6[%dma_wait3A_306, %dma_wait3A_310] : memref<4x64xi32, #tpu.memory_space<vmem>> -> memref<1x32xi32, #tpu.memory_space<vmem>>
    %dma_wait3A_312 = tpu.memref_squeeze %dma_wait3A_311 : memref<1x32xi32, #tpu.memory_space<vmem>> -> memref<32xi32, #tpu.memory_space<vmem>>
    %dma_wait3A_313 = arith.constant 0 : i32
    %dma_wait3A_314 = arith.constant 0 : i32
    %dma_wait3A_315 = tpu.memref_slice %arg3[%dma_wait3A_313, %dma_wait3A_314] : memref<100000x128xf32, #tpu.memory_space<hbm>> -> memref<100000x128xf32, #tpu.memory_space<hbm>>
    tpu.wait_indirect_dma semaphore(%arg16 : memref<!tpu.dma_semaphore, #tpu.memory_space<semaphore_mem>>) src(%dma_wait3A_315 : memref<100000x128xf32, #tpu.memory_space<hbm>>) dst(%dma_wait3A_309 : memref<32x128xf32, #tpu.memory_space<vmem>>)
    %add3A_316 = arith.constant 4096 : i32
    %add3A_317 = arith.addi %add3A_316, %mul3A_2 : i32
    %add3A_318 = arith.constant 32 : i32
    %add3A_319 = arith.addi %add3A_317, %add3A_318 : i32
    %dma_start3A_320 = arith.constant 160 : i32
    %dma_start3A_321 = arith.constant 0 : i32
    %dma_start3A_322 = tpu.memref_slice %arg8[%dma_start3A_320, %dma_start3A_321] : memref<256x128xf32, #tpu.memory_space<vmem>> -> memref<32x128xf32, #tpu.memory_space<vmem>>
    %dma_start3A_323 = arith.constant 0 : i32
    %dma_start3A_324 = tpu.memref_slice %arg5[%add3A_319, %dma_start3A_323] : memref<8192x128xf32, #tpu.memory_space<hbm>> -> memref<32x128xf32, #tpu.memory_space<hbm>>
    %dma_start3A_325 = arith.constant 0 : i32
    %dma_start3A_326 = tpu.memref_slice %arg5[%add3A_319, %dma_start3A_325] : memref<8192x128xf32, #tpu.memory_space<hbm>> -> memref<32x128xf32, #tpu.memory_space<hbm>>
    %dma_start3A_327 = arith.constant 160 : i32
    %dma_start3A_328 = arith.constant 0 : i32
    %dma_start3A_329 = tpu.memref_slice %arg8[%dma_start3A_327, %dma_start3A_328] : memref<256x128xf32, #tpu.memory_space<vmem>> -> memref<32x128xf32, #tpu.memory_space<vmem>>
    tpu.enqueue_dma source(%dma_start3A_329 : memref<32x128xf32, #tpu.memory_space<vmem>>) target(%dma_start3A_326 : memref<32x128xf32, #tpu.memory_space<hbm>>) target_semaphore(%arg18 : memref<!tpu.dma_semaphore, #tpu.memory_space<semaphore_mem>>)
    %dma_wait3A_330 = arith.constant 3 : i32
    %dma_wait3A_331 = arith.constant 224 : i32
    %dma_wait3A_332 = arith.constant 0 : i32
    %dma_wait3A_333 = tpu.memref_slice %arg8[%dma_wait3A_331, %dma_wait3A_332] : memref<256x128xf32, #tpu.memory_space<vmem>> -> memref<32x128xf32, #tpu.memory_space<vmem>>
    %dma_wait3A_334 = arith.constant 32 : i32
    %dma_wait3A_335 = tpu.memref_slice %arg6[%dma_wait3A_330, %dma_wait3A_334] : memref<4x64xi32, #tpu.memory_space<vmem>> -> memref<1x32xi32, #tpu.memory_space<vmem>>
    %dma_wait3A_336 = tpu.memref_squeeze %dma_wait3A_335 : memref<1x32xi32, #tpu.memory_space<vmem>> -> memref<32xi32, #tpu.memory_space<vmem>>
    %dma_wait3A_337 = arith.constant 0 : i32
    %dma_wait3A_338 = arith.constant 0 : i32
    %dma_wait3A_339 = tpu.memref_slice %arg3[%dma_wait3A_337, %dma_wait3A_338] : memref<100000x128xf32, #tpu.memory_space<hbm>> -> memref<100000x128xf32, #tpu.memory_space<hbm>>
    tpu.wait_indirect_dma semaphore(%arg17 : memref<!tpu.dma_semaphore, #tpu.memory_space<semaphore_mem>>) src(%dma_wait3A_339 : memref<100000x128xf32, #tpu.memory_space<hbm>>) dst(%dma_wait3A_333 : memref<32x128xf32, #tpu.memory_space<vmem>>)
    %add3A_340 = arith.constant 6144 : i32
    %add3A_341 = arith.addi %add3A_340, %mul3A_2 : i32
    %add3A_342 = arith.constant 32 : i32
    %add3A_343 = arith.addi %add3A_341, %add3A_342 : i32
    %dma_start3A_344 = arith.constant 224 : i32
    %dma_start3A_345 = arith.constant 0 : i32
    %dma_start3A_346 = tpu.memref_slice %arg8[%dma_start3A_344, %dma_start3A_345] : memref<256x128xf32, #tpu.memory_space<vmem>> -> memref<32x128xf32, #tpu.memory_space<vmem>>
    %dma_start3A_347 = arith.constant 0 : i32
    %dma_start3A_348 = tpu.memref_slice %arg5[%add3A_343, %dma_start3A_347] : memref<8192x128xf32, #tpu.memory_space<hbm>> -> memref<32x128xf32, #tpu.memory_space<hbm>>
    %dma_start3A_349 = arith.constant 0 : i32
    %dma_start3A_350 = tpu.memref_slice %arg5[%add3A_343, %dma_start3A_349] : memref<8192x128xf32, #tpu.memory_space<hbm>> -> memref<32x128xf32, #tpu.memory_space<hbm>>
    %dma_start3A_351 = arith.constant 224 : i32
    %dma_start3A_352 = arith.constant 0 : i32
    %dma_start3A_353 = tpu.memref_slice %arg8[%dma_start3A_351, %dma_start3A_352] : memref<256x128xf32, #tpu.memory_space<vmem>> -> memref<32x128xf32, #tpu.memory_space<vmem>>
    tpu.enqueue_dma source(%dma_start3A_353 : memref<32x128xf32, #tpu.memory_space<vmem>>) target(%dma_start3A_350 : memref<32x128xf32, #tpu.memory_space<hbm>>) target_semaphore(%arg18 : memref<!tpu.dma_semaphore, #tpu.memory_space<semaphore_mem>>)
    %dma_wait3A_354 = arith.constant 0 : i32
    %dma_wait3A_355 = arith.constant 0 : i32
    %dma_wait3A_356 = tpu.memref_slice %arg8[%dma_wait3A_354, %dma_wait3A_355] : memref<256x128xf32, #tpu.memory_space<vmem>> -> memref<16x128xf32, #tpu.memory_space<vmem>>
    %dma_wait3A_357 = arith.constant 0 : i32
    %dma_wait3A_358 = tpu.memref_slice %arg5[%add3A_143, %dma_wait3A_357] : memref<8192x128xf32, #tpu.memory_space<hbm>> -> memref<16x128xf32, #tpu.memory_space<hbm>>
    %dma_wait3A_359 = arith.constant 0 : i32
    %dma_wait3A_360 = tpu.memref_slice %arg5[%add3A_143, %dma_wait3A_359] : memref<8192x128xf32, #tpu.memory_space<hbm>> -> memref<16x128xf32, #tpu.memory_space<hbm>>
    %dma_wait3A_361 = arith.constant 0 : i32
    %dma_wait3A_362 = arith.constant 0 : i32
    %dma_wait3A_363 = tpu.memref_slice %arg8[%dma_wait3A_361, %dma_wait3A_362] : memref<256x128xf32, #tpu.memory_space<vmem>> -> memref<16x128xf32, #tpu.memory_space<vmem>>
    tpu.wait_dma2 semaphore(%arg18 : memref<!tpu.dma_semaphore, #tpu.memory_space<semaphore_mem>>) src(%dma_wait3A_363 : memref<16x128xf32, #tpu.memory_space<vmem>>) dst(%dma_wait3A_360 : memref<16x128xf32, #tpu.memory_space<hbm>>)
    %dma_wait3A_364 = arith.constant 64 : i32
    %dma_wait3A_365 = arith.constant 0 : i32
    %dma_wait3A_366 = tpu.memref_slice %arg8[%dma_wait3A_364, %dma_wait3A_365] : memref<256x128xf32, #tpu.memory_space<vmem>> -> memref<16x128xf32, #tpu.memory_space<vmem>>
    %dma_wait3A_367 = arith.constant 0 : i32
    %dma_wait3A_368 = tpu.memref_slice %arg5[%add3A_157, %dma_wait3A_367] : memref<8192x128xf32, #tpu.memory_space<hbm>> -> memref<16x128xf32, #tpu.memory_space<hbm>>
    %dma_wait3A_369 = arith.constant 0 : i32
    %dma_wait3A_370 = tpu.memref_slice %arg5[%add3A_157, %dma_wait3A_369] : memref<8192x128xf32, #tpu.memory_space<hbm>> -> memref<16x128xf32, #tpu.memory_space<hbm>>
    %dma_wait3A_371 = arith.constant 64 : i32
    %dma_wait3A_372 = arith.constant 0 : i32
    %dma_wait3A_373 = tpu.memref_slice %arg8[%dma_wait3A_371, %dma_wait3A_372] : memref<256x128xf32, #tpu.memory_space<vmem>> -> memref<16x128xf32, #tpu.memory_space<vmem>>
    tpu.wait_dma2 semaphore(%arg18 : memref<!tpu.dma_semaphore, #tpu.memory_space<semaphore_mem>>) src(%dma_wait3A_373 : memref<16x128xf32, #tpu.memory_space<vmem>>) dst(%dma_wait3A_370 : memref<16x128xf32, #tpu.memory_space<hbm>>)
    %dma_wait3A_374 = arith.constant 128 : i32
    %dma_wait3A_375 = arith.constant 0 : i32
    %dma_wait3A_376 = tpu.memref_slice %arg8[%dma_wait3A_374, %dma_wait3A_375] : memref<256x128xf32, #tpu.memory_space<vmem>> -> memref<16x128xf32, #tpu.memory_space<vmem>>
    %dma_wait3A_377 = arith.constant 0 : i32
    %dma_wait3A_378 = tpu.memref_slice %arg5[%add3A_171, %dma_wait3A_377] : memref<8192x128xf32, #tpu.memory_space<hbm>> -> memref<16x128xf32, #tpu.memory_space<hbm>>
    %dma_wait3A_379 = arith.constant 0 : i32
    %dma_wait3A_380 = tpu.memref_slice %arg5[%add3A_171, %dma_wait3A_379] : memref<8192x128xf32, #tpu.memory_space<hbm>> -> memref<16x128xf32, #tpu.memory_space<hbm>>
    %dma_wait3A_381 = arith.constant 128 : i32
    %dma_wait3A_382 = arith.constant 0 : i32
    %dma_wait3A_383 = tpu.memref_slice %arg8[%dma_wait3A_381, %dma_wait3A_382] : memref<256x128xf32, #tpu.memory_space<vmem>> -> memref<16x128xf32, #tpu.memory_space<vmem>>
    tpu.wait_dma2 semaphore(%arg18 : memref<!tpu.dma_semaphore, #tpu.memory_space<semaphore_mem>>) src(%dma_wait3A_383 : memref<16x128xf32, #tpu.memory_space<vmem>>) dst(%dma_wait3A_380 : memref<16x128xf32, #tpu.memory_space<hbm>>)
    %dma_wait3A_384 = arith.constant 192 : i32
    %dma_wait3A_385 = arith.constant 0 : i32
    %dma_wait3A_386 = tpu.memref_slice %arg8[%dma_wait3A_384, %dma_wait3A_385] : memref<256x128xf32, #tpu.memory_space<vmem>> -> memref<16x128xf32, #tpu.memory_space<vmem>>
    %dma_wait3A_387 = arith.constant 0 : i32
    %dma_wait3A_388 = tpu.memref_slice %arg5[%add3A_185, %dma_wait3A_387] : memref<8192x128xf32, #tpu.memory_space<hbm>> -> memref<16x128xf32, #tpu.memory_space<hbm>>
    %dma_wait3A_389 = arith.constant 0 : i32
    %dma_wait3A_390 = tpu.memref_slice %arg5[%add3A_185, %dma_wait3A_389] : memref<8192x128xf32, #tpu.memory_space<hbm>> -> memref<16x128xf32, #tpu.memory_space<hbm>>
    %dma_wait3A_391 = arith.constant 192 : i32
    %dma_wait3A_392 = arith.constant 0 : i32
    %dma_wait3A_393 = tpu.memref_slice %arg8[%dma_wait3A_391, %dma_wait3A_392] : memref<256x128xf32, #tpu.memory_space<vmem>> -> memref<16x128xf32, #tpu.memory_space<vmem>>
    tpu.wait_dma2 semaphore(%arg18 : memref<!tpu.dma_semaphore, #tpu.memory_space<semaphore_mem>>) src(%dma_wait3A_393 : memref<16x128xf32, #tpu.memory_space<vmem>>) dst(%dma_wait3A_390 : memref<16x128xf32, #tpu.memory_space<hbm>>)
    %dma_wait3A_394 = arith.constant 16 : i32
    %dma_wait3A_395 = arith.constant 0 : i32
    %dma_wait3A_396 = tpu.memref_slice %arg8[%dma_wait3A_394, %dma_wait3A_395] : memref<256x128xf32, #tpu.memory_space<vmem>> -> memref<16x128xf32, #tpu.memory_space<vmem>>
    %dma_wait3A_397 = arith.constant 0 : i32
    %dma_wait3A_398 = tpu.memref_slice %arg5[%add3A_205, %dma_wait3A_397] : memref<8192x128xf32, #tpu.memory_space<hbm>> -> memref<16x128xf32, #tpu.memory_space<hbm>>
    %dma_wait3A_399 = arith.constant 0 : i32
    %dma_wait3A_400 = tpu.memref_slice %arg5[%add3A_205, %dma_wait3A_399] : memref<8192x128xf32, #tpu.memory_space<hbm>> -> memref<16x128xf32, #tpu.memory_space<hbm>>
    %dma_wait3A_401 = arith.constant 16 : i32
    %dma_wait3A_402 = arith.constant 0 : i32
    %dma_wait3A_403 = tpu.memref_slice %arg8[%dma_wait3A_401, %dma_wait3A_402] : memref<256x128xf32, #tpu.memory_space<vmem>> -> memref<16x128xf32, #tpu.memory_space<vmem>>
    tpu.wait_dma2 semaphore(%arg18 : memref<!tpu.dma_semaphore, #tpu.memory_space<semaphore_mem>>) src(%dma_wait3A_403 : memref<16x128xf32, #tpu.memory_space<vmem>>) dst(%dma_wait3A_400 : memref<16x128xf32, #tpu.memory_space<hbm>>)
    %dma_wait3A_404 = arith.constant 80 : i32
    %dma_wait3A_405 = arith.constant 0 : i32
    %dma_wait3A_406 = tpu.memref_slice %arg8[%dma_wait3A_404, %dma_wait3A_405] : memref<256x128xf32, #tpu.memory_space<vmem>> -> memref<16x128xf32, #tpu.memory_space<vmem>>
    %dma_wait3A_407 = arith.constant 0 : i32
    %dma_wait3A_408 = tpu.memref_slice %arg5[%add3A_219, %dma_wait3A_407] : memref<8192x128xf32, #tpu.memory_space<hbm>> -> memref<16x128xf32, #tpu.memory_space<hbm>>
    %dma_wait3A_409 = arith.constant 0 : i32
    %dma_wait3A_410 = tpu.memref_slice %arg5[%add3A_219, %dma_wait3A_409] : memref<8192x128xf32, #tpu.memory_space<hbm>> -> memref<16x128xf32, #tpu.memory_space<hbm>>
    %dma_wait3A_411 = arith.constant 80 : i32
    %dma_wait3A_412 = arith.constant 0 : i32
    %dma_wait3A_413 = tpu.memref_slice %arg8[%dma_wait3A_411, %dma_wait3A_412] : memref<256x128xf32, #tpu.memory_space<vmem>> -> memref<16x128xf32, #tpu.memory_space<vmem>>
    tpu.wait_dma2 semaphore(%arg18 : memref<!tpu.dma_semaphore, #tpu.memory_space<semaphore_mem>>) src(%dma_wait3A_413 : memref<16x128xf32, #tpu.memory_space<vmem>>) dst(%dma_wait3A_410 : memref<16x128xf32, #tpu.memory_space<hbm>>)
    %dma_wait3A_414 = arith.constant 144 : i32
    %dma_wait3A_415 = arith.constant 0 : i32
    %dma_wait3A_416 = tpu.memref_slice %arg8[%dma_wait3A_414, %dma_wait3A_415] : memref<256x128xf32, #tpu.memory_space<vmem>> -> memref<16x128xf32, #tpu.memory_space<vmem>>
    %dma_wait3A_417 = arith.constant 0 : i32
    %dma_wait3A_418 = tpu.memref_slice %arg5[%add3A_233, %dma_wait3A_417] : memref<8192x128xf32, #tpu.memory_space<hbm>> -> memref<16x128xf32, #tpu.memory_space<hbm>>
    %dma_wait3A_419 = arith.constant 0 : i32
    %dma_wait3A_420 = tpu.memref_slice %arg5[%add3A_233, %dma_wait3A_419] : memref<8192x128xf32, #tpu.memory_space<hbm>> -> memref<16x128xf32, #tpu.memory_space<hbm>>
    %dma_wait3A_421 = arith.constant 144 : i32
    %dma_wait3A_422 = arith.constant 0 : i32
    %dma_wait3A_423 = tpu.memref_slice %arg8[%dma_wait3A_421, %dma_wait3A_422] : memref<256x128xf32, #tpu.memory_space<vmem>> -> memref<16x128xf32, #tpu.memory_space<vmem>>
    tpu.wait_dma2 semaphore(%arg18 : memref<!tpu.dma_semaphore, #tpu.memory_space<semaphore_mem>>) src(%dma_wait3A_423 : memref<16x128xf32, #tpu.memory_space<vmem>>) dst(%dma_wait3A_420 : memref<16x128xf32, #tpu.memory_space<hbm>>)
    %dma_wait3A_424 = arith.constant 208 : i32
    %dma_wait3A_425 = arith.constant 0 : i32
    %dma_wait3A_426 = tpu.memref_slice %arg8[%dma_wait3A_424, %dma_wait3A_425] : memref<256x128xf32, #tpu.memory_space<vmem>> -> memref<16x128xf32, #tpu.memory_space<vmem>>
    %dma_wait3A_427 = arith.constant 0 : i32
    %dma_wait3A_428 = tpu.memref_slice %arg5[%add3A_247, %dma_wait3A_427] : memref<8192x128xf32, #tpu.memory_space<hbm>> -> memref<16x128xf32, #tpu.memory_space<hbm>>
    %dma_wait3A_429 = arith.constant 0 : i32
    %dma_wait3A_430 = tpu.memref_slice %arg5[%add3A_247, %dma_wait3A_429] : memref<8192x128xf32, #tpu.memory_space<hbm>> -> memref<16x128xf32, #tpu.memory_space<hbm>>
    %dma_wait3A_431 = arith.constant 208 : i32
    %dma_wait3A_432 = arith.constant 0 : i32
    %dma_wait3A_433 = tpu.memref_slice %arg8[%dma_wait3A_431, %dma_wait3A_432] : memref<256x128xf32, #tpu.memory_space<vmem>> -> memref<16x128xf32, #tpu.memory_space<vmem>>
    tpu.wait_dma2 semaphore(%arg18 : memref<!tpu.dma_semaphore, #tpu.memory_space<semaphore_mem>>) src(%dma_wait3A_433 : memref<16x128xf32, #tpu.memory_space<vmem>>) dst(%dma_wait3A_430 : memref<16x128xf32, #tpu.memory_space<hbm>>)
    %dma_wait3A_434 = arith.constant 32 : i32
    %dma_wait3A_435 = arith.constant 0 : i32
    %dma_wait3A_436 = tpu.memref_slice %arg8[%dma_wait3A_434, %dma_wait3A_435] : memref<256x128xf32, #tpu.memory_space<vmem>> -> memref<32x128xf32, #tpu.memory_space<vmem>>
    %dma_wait3A_437 = arith.constant 0 : i32
    %dma_wait3A_438 = tpu.memref_slice %arg5[%add3A_271, %dma_wait3A_437] : memref<8192x128xf32, #tpu.memory_space<hbm>> -> memref<32x128xf32, #tpu.memory_space<hbm>>
    %dma_wait3A_439 = arith.constant 0 : i32
    %dma_wait3A_440 = tpu.memref_slice %arg5[%add3A_271, %dma_wait3A_439] : memref<8192x128xf32, #tpu.memory_space<hbm>> -> memref<32x128xf32, #tpu.memory_space<hbm>>
    %dma_wait3A_441 = arith.constant 32 : i32
    %dma_wait3A_442 = arith.constant 0 : i32
    %dma_wait3A_443 = tpu.memref_slice %arg8[%dma_wait3A_441, %dma_wait3A_442] : memref<256x128xf32, #tpu.memory_space<vmem>> -> memref<32x128xf32, #tpu.memory_space<vmem>>
    tpu.wait_dma2 semaphore(%arg18 : memref<!tpu.dma_semaphore, #tpu.memory_space<semaphore_mem>>) src(%dma_wait3A_443 : memref<32x128xf32, #tpu.memory_space<vmem>>) dst(%dma_wait3A_440 : memref<32x128xf32, #tpu.memory_space<hbm>>)
    %dma_wait3A_444 = arith.constant 96 : i32
    %dma_wait3A_445 = arith.constant 0 : i32
    %dma_wait3A_446 = tpu.memref_slice %arg8[%dma_wait3A_444, %dma_wait3A_445] : memref<256x128xf32, #tpu.memory_space<vmem>> -> memref<32x128xf32, #tpu.memory_space<vmem>>
    %dma_wait3A_447 = arith.constant 0 : i32
    %dma_wait3A_448 = tpu.memref_slice %arg5[%add3A_295, %dma_wait3A_447] : memref<8192x128xf32, #tpu.memory_space<hbm>> -> memref<32x128xf32, #tpu.memory_space<hbm>>
    %dma_wait3A_449 = arith.constant 0 : i32
    %dma_wait3A_450 = tpu.memref_slice %arg5[%add3A_295, %dma_wait3A_449] : memref<8192x128xf32, #tpu.memory_space<hbm>> -> memref<32x128xf32, #tpu.memory_space<hbm>>
    %dma_wait3A_451 = arith.constant 96 : i32
    %dma_wait3A_452 = arith.constant 0 : i32
    %dma_wait3A_453 = tpu.memref_slice %arg8[%dma_wait3A_451, %dma_wait3A_452] : memref<256x128xf32, #tpu.memory_space<vmem>> -> memref<32x128xf32, #tpu.memory_space<vmem>>
    tpu.wait_dma2 semaphore(%arg18 : memref<!tpu.dma_semaphore, #tpu.memory_space<semaphore_mem>>) src(%dma_wait3A_453 : memref<32x128xf32, #tpu.memory_space<vmem>>) dst(%dma_wait3A_450 : memref<32x128xf32, #tpu.memory_space<hbm>>)
    %dma_wait3A_454 = arith.constant 160 : i32
    %dma_wait3A_455 = arith.constant 0 : i32
    %dma_wait3A_456 = tpu.memref_slice %arg8[%dma_wait3A_454, %dma_wait3A_455] : memref<256x128xf32, #tpu.memory_space<vmem>> -> memref<32x128xf32, #tpu.memory_space<vmem>>
    %dma_wait3A_457 = arith.constant 0 : i32
    %dma_wait3A_458 = tpu.memref_slice %arg5[%add3A_319, %dma_wait3A_457] : memref<8192x128xf32, #tpu.memory_space<hbm>> -> memref<32x128xf32, #tpu.memory_space<hbm>>
    %dma_wait3A_459 = arith.constant 0 : i32
    %dma_wait3A_460 = tpu.memref_slice %arg5[%add3A_319, %dma_wait3A_459] : memref<8192x128xf32, #tpu.memory_space<hbm>> -> memref<32x128xf32, #tpu.memory_space<hbm>>
    %dma_wait3A_461 = arith.constant 160 : i32
    %dma_wait3A_462 = arith.constant 0 : i32
    %dma_wait3A_463 = tpu.memref_slice %arg8[%dma_wait3A_461, %dma_wait3A_462] : memref<256x128xf32, #tpu.memory_space<vmem>> -> memref<32x128xf32, #tpu.memory_space<vmem>>
    tpu.wait_dma2 semaphore(%arg18 : memref<!tpu.dma_semaphore, #tpu.memory_space<semaphore_mem>>) src(%dma_wait3A_463 : memref<32x128xf32, #tpu.memory_space<vmem>>) dst(%dma_wait3A_460 : memref<32x128xf32, #tpu.memory_space<hbm>>)
    %dma_wait3A_464 = arith.constant 224 : i32
    %dma_wait3A_465 = arith.constant 0 : i32
    %dma_wait3A_466 = tpu.memref_slice %arg8[%dma_wait3A_464, %dma_wait3A_465] : memref<256x128xf32, #tpu.memory_space<vmem>> -> memref<32x128xf32, #tpu.memory_space<vmem>>
    %dma_wait3A_467 = arith.constant 0 : i32
    %dma_wait3A_468 = tpu.memref_slice %arg5[%add3A_343, %dma_wait3A_467] : memref<8192x128xf32, #tpu.memory_space<hbm>> -> memref<32x128xf32, #tpu.memory_space<hbm>>
    %dma_wait3A_469 = arith.constant 0 : i32
    %dma_wait3A_470 = tpu.memref_slice %arg5[%add3A_343, %dma_wait3A_469] : memref<8192x128xf32, #tpu.memory_space<hbm>> -> memref<32x128xf32, #tpu.memory_space<hbm>>
    %dma_wait3A_471 = arith.constant 224 : i32
    %dma_wait3A_472 = arith.constant 0 : i32
    %dma_wait3A_473 = tpu.memref_slice %arg8[%dma_wait3A_471, %dma_wait3A_472] : memref<256x128xf32, #tpu.memory_space<vmem>> -> memref<32x128xf32, #tpu.memory_space<vmem>>
    tpu.wait_dma2 semaphore(%arg18 : memref<!tpu.dma_semaphore, #tpu.memory_space<semaphore_mem>>) src(%dma_wait3A_473 : memref<32x128xf32, #tpu.memory_space<vmem>>) dst(%dma_wait3A_470 : memref<32x128xf32, #tpu.memory_space<hbm>>)
    return
  }
}

</mosaic_0001>

<sc_bundles>
// kernel: kernel.3.cloned.1.call-start
scs
__scs_entry_jumppad:
0x0: {  	(pc) =	sbr.rel $0x88, $3  }
0x1: {  	(tag) =	ssettag $0x0;
	lr =	simm.s32 $0x1  }
0x2: {  	[smem:$0x3F9F] =	sst lr;
	_ =	strace $0xD0000000  }
0x3: {  	_ = 	snop  }
0x4: {  	_ = 	snop  }
0x5: {  	_ = 	snop  }
0x6: {  	_ = 	snop  }
0x7: {  	_ = 	snop  }
__scs_overlays_trampoline_lowered:
0x8: {  	[smem:$0x3FAE] =	sst s0  }
0x9: {  	[smem:$0x3FAF] =	sst s1  }
0xa: {  	[smem:$0x3FB0] =	sst s2  }
0xb: {  	[smem:$0x3FB1] =	sst s3  }
0xc: {  	[smem:$0x3FB2] =	sst s4  }
0xd: {  	[smem:$0x3FB3] =	sst s5  }
0xe: {  	[smem:$0x3FB4] =	sst s6  }
0xf: {  	[smem:$0x3FB5] =	sst s7  }
0x10: {  	[smem:$0x3FB6] =	sst s8  }
0x11: {  	[smem:$0x3FB7] =	sst s9;
	s0 =	simm.s32 @!p0 $0x0  }
0x12: {  	s1 =	sld [smem:$0x3F9D];
	s0 =	simm.s32 @p0 $0x1  }
0x13: {  	[smem:$0x3FB8] =	sst s0;
	s0 =	simm.s32 @!p1 $0x0  }
0x14: {  	s2 =	sld [smem:$0x3F9C];
	s0 =	simm.s32 @p1 $0x1  }
0x15: {  	[smem:$0x3FB9] =	sst s0;
	s0 =	simm.s32 @!p2 $0x0  }
0x16: {  	s3 =	sld [smem:$0x3FDB];
	s0 =	simm.s32 @p2 $0x1  }
0x17: {  	s4 =	simm.s32 $0x1BF5;
	[smem:$0x3FBB] =	sst s0  }
0x18: {  	s0 =	sld [smem:$0x3F9E];
	_ =	swait.ge [sflag:s4], $0x0  }
0x19: {  	s7 =	sld [smem:$0x3F9F]  }
0x1a: {  	s8 =	sadd.s32 $0xFFFFE003, lr  }
0x1b: {  	s9 =	sadd.s32 $0xFFFFFEF7, lr;
	s5 =	simm.s32 $0xFFFFFFFF;
	p2 =	slt.u32 s8, $0xFFFFF086  }
0x1c: {  	p1 =	slt.u32 s9, $0xF7A;
	s5 =	simm.s32 @!p2 $0x0  }
0x1d: {  	s5 =	simm.s32 @p1 $0x1;
	p0 =	seq.s32 s7, s2  }
0x1e: {  	s7 =	smul.u32 @!p0 $0xF7A, s2;
	p2 =	seq.s32 @!p0 s5, $0x0  }
0x1f: {  	s9 =	smul.u32 $0xF7A, s1;
	s8 =	simm.s32 @!p0 $0x1BF5;
	p2 =	por !p2, p0  }
0x20: {  	[sflag:s8] =	ssyncset.s32 @!p0 $0xFFFFF086;
	s6 =	sadd.s32 @!p0 s3, s7;
	s7 =	simm.s32 @!p0 $0x108  }
0x21: {  	s3 =	sadd.s32 s3, s9;
	s6 =	sadd.s32 @!p0 $0x88, s6;
	s7 =	simm.s32 @p2 $0x1082  }
0x22: {  	[simem:s7], [sflag:s8] =	dma.local @!p0 [hbm:s6], $0xF7A  }
0x23: {  	s9 =	sor.u32 $0xD0000000, s2;
	s6 =	simm.s32 $0x108;
	_ =	swait.ge @!p0 [sflag:s8], $0x0  }
0x24: {  	s3 =	sadd.s32 $0x88, s3;
	s6 =	simm.s32 @!p1 $0x1082;
	[sflag:s4] =	ssyncset.s32 $0xFFFFF086  }
0x25: {  	[simem:s6], [sflag:s4] =	dma.local [hbm:s3], $0xF7A  }
0x26: {  	[smem:$0x3F9F] =	sst s1;
	(tag) =	ssettag s2;
	_ =	strace s9  }
0x27: {  	s1 =	sld [smem:$0x3FAF]  }
0x28: {  	s2 =	sld [smem:$0x3FB0]  }
0x29: {  	s4 =	sld [smem:$0x3FB2]  }
0x2a: {  	p0 =	seq.s32 s5, $0x0;
	s5 =	sld [smem:$0x3FB3]  }
0x2b: {  	s6 =	sld [smem:$0x3FB4]  }
0x2c: {  	s7 =	sld [smem:$0x3FB5]  }
0x2d: {  	s3 =	simm.s32 $0x108;
	s8 =	sld [smem:$0x3FB6]  }
0x2e: {  	s3 =	simm.s32 @!p0 $0x1082;
	s9 =	sld [smem:$0x3FB7]  }
0x2f: {  	lr =	sadd.s32 s0, s3;
	s0 =	sld [smem:$0x3FAE]  }
0x30: {  	s3 =	sld [smem:$0x3FB1]  }
0x31: {  	[smem:$0x3FBA] =	sst s10  }
0x32: {  	s10 =	sld [smem:$0x3FB8];
	_ =	sdelay $0x3  }
0x33: {  	p0 =	seq.s32 s10, $0x1;
	s10 =	sld [smem:$0x3FBA];
	_ =	sdelay $0x3  }
0x34: {  	[smem:$0x3FBA] =	sst s10  }
0x35: {  	s10 =	sld [smem:$0x3FB9];
	_ =	sdelay $0x3  }
0x36: {  	p1 =	seq.s32 s10, $0x1;
	s10 =	sld [smem:$0x3FBA];
	_ =	sdelay $0x3  }
0x37: {  	[smem:$0x3FBA] =	sst s10  }
0x38: {  	s10 =	sld [smem:$0x3FBB]  }
0x39: {  	_ = 	snop;
	(pc) =	sbr.ind lr, $3  }
0x3a: {  	_ = 	snop  }
0x3b: {  	_ = 	snop  }
0x3c: {  	p2 =	seq.s32 s10, $0x1;
	s10 =	sld [smem:$0x3FBA]  }
0x3d: {  	_ =	shalt  }
0x3e: {  	_ =	shalt  }
0x3f: {  	_ =	shalt  }
0x40: {  	_ =	shalt  }
0x41: {  	_ =	shalt  }
0x42: {  	_ =	shalt  }
0x43: {  	_ =	shalt  }
0x44: {  	_ =	shalt  }
0x45: {  	_ =	shalt  }
0x46: {  	_ =	shalt  }
0x47: {  	_ =	shalt  }
0x48: {  	_ =	shalt  }
0x49: {  	_ =	shalt  }
0x4a: {  	_ =	shalt  }
0x4b: {  	_ =	shalt  }
0x4c: {  	_ =	shalt  }
0x4d: {  	_ =	shalt  }
0x4e: {  	_ =	shalt  }
0x4f: {  	_ =	shalt  }
0x50: {  	_ =	shalt  }
0x51: {  	_ =	shalt  }
0x52: {  	_ =	shalt  }
0x53: {  	_ =	shalt  }
0x54: {  	_ =	shalt  }
0x55: {  	_ =	shalt  }
0x56: {  	_ =	shalt  }
0x57: {  	_ =	shalt  }
0x58: {  	_ =	shalt  }
0x59: {  	_ =	shalt  }
0x5a: {  	_ =	shalt  }
0x5b: {  	_ =	shalt  }
0x5c: {  	_ =	shalt  }
0x5d: {  	_ =	shalt  }
0x5e: {  	_ =	shalt  }
0x5f: {  	_ =	shalt  }
0x60: {  	_ =	shalt  }
0x61: {  	_ =	shalt  }
0x62: {  	_ =	shalt  }
0x63: {  	_ =	shalt  }
0x64: {  	_ =	shalt  }
0x65: {  	_ =	shalt  }
0x66: {  	_ =	shalt  }
0x67: {  	_ =	shalt  }
0x68: {  	_ =	shalt  }
0x69: {  	_ =	shalt  }
0x6a: {  	_ =	shalt  }
0x6b: {  	_ =	shalt  }
0x6c: {  	_ =	shalt  }
0x6d: {  	_ =	shalt  }
0x6e: {  	_ =	shalt  }
0x6f: {  	_ =	shalt  }
0x70: {  	_ =	shalt  }
0x71: {  	_ =	shalt  }
0x72: {  	_ =	shalt  }
0x73: {  	_ =	shalt  }
0x74: {  	_ =	shalt  }
0x75: {  	_ =	shalt  }
0x76: {  	_ =	shalt  }
0x77: {  	_ =	shalt  }
0x78: {  	_ =	shalt  }
0x79: {  	_ =	shalt  }
0x7a: {  	_ =	shalt  }
0x7b: {  	_ =	shalt  }
0x7c: {  	_ =	shalt  }
0x7d: {  	_ =	shalt  }
0x7e: {  	_ =	shalt  }
0x7f: {  	_ =	shalt  }
0x80: {  	_ =	shalt  }
0x81: {  	_ =	shalt  }
0x82: {  	_ =	shalt  }
0x83: {  	_ =	shalt  }
0x84: {  	_ =	shalt  }
0x85: {  	_ =	shalt  }
0x86: {  	_ =	shalt  }
0x87: {  	_ =	shalt  }
.Lfunc_end0:
.L_simem_size_0:
called_computation_lowered:
.L_overlay_start_0:
0x88: {  	s2 =	sld [smem:$0x3FD9]  }
0x89: {  	s3 =	sld [smem:$0x3FFE];
	_ =	sdelay $0x1  }
0x8a: {  	s1 =	srdreg.scid  }
0x8b: {  	s0 =	sand.u32 $0x1, s1  }
0x8c: {  	s17 =	sshll.u32 s0, $0xA;
	s2 =	sadd.s32 s3, s2  }
0x8d: {  	s2 =	sadd.s32 s2, s17  }
0x8e: {  	[smem:$0x3FC6] =	sst s2  }
0x8f: {  	_ = 	snop  }
0x90: {  	s2 =	sld [smem:$0x3FC8]  }
0x91: {  	s18 =	sld [smem:$0x3FD0];
	(tm) =	ssettm $0x1  }
0x92: {  	s4 =	sld [smem:$0x3FFB];
	_ =	sdelay $0x3  }
0x93: {  	_ =	strace s4  }
0x94: {  	s4 =	sld [smem:$0x3FFC];
	_ =	sdelay $0x3  }
0x95: {  	_ =	strace s4  }
0x96: {  	s4 =	sld [smem:$0x3FFD];
	_ =	sdelay $0x3  }
0x97: {  	_ =	strace s4  }
0x98: {  	_ =	strace $0x8FFFFFFF  }
0x99: {  	s19 =	sld [smem:$0x3FDB];
	_ =	sdelay $0x1  }
0x9a: {  	s5 =	simm.s32 $_scs_section_size  }
0x9b: {  	s6 =	simm.s32 $_size__tile_overlayer_lowered;
	s7 =	simm.s32 $_tile_overlayer_lowered  }
0x9c: {  	s22 =	simm.s32 $0x1BFF;
	s21 =	sshll.u32 s7, $0x1;
	s4 =	sadd.s32 s5, s19  }
0x9d: {  	s8 =	simm.s32 $0x0;
	s20 =	sshll.u32 s6, $0x1;
	s6 =	sadd.s32 s21, s4  }
0x9e: {  	[timem:s8], [sflag:s22] =	dma.local [hbm:s6], s20  }
0x9f: {  	_ =	swait.ge [sflag:s22], s20  }
0xa0: {  	s5 =	ssub.s32 $0x0, s20;
	[sflag:s22] =	ssyncset.done $0x0  }
0xa1: {  	[sflag:s22] =	ssyncadd.s32 s5;
	_ =	sdelay $0x1  }
0xa2: {  	s23 =	simm.s32 $0x1B8B  }
0xa3: {  	_ =	swait.ge [sflag:s23], $0x1  }
0xa4: {  	[sflag:s23] =	ssyncset.done $0x0  }
0xa5: {  	s25 =	simm.s32 $0x1B8E;
	s24 =	sld [smem:$0x3FFE];
	[sflag:s23] =	ssyncadd.s32 $0xFFFFFFFF  }
0xa6: {  	s26 =	simm.s32 $execute0_lowered;
	[smem:$0x3FD2] =	sst s25  }
0xa7: {  	s6 =	sshll.u32 s26, $0x1;
	_ =	strace $0x80000046;
	[dreg:$0x1] =	wrdreg $0xFFFFFFFF  }
0xa8: {  	s28 =	simm.s32 $_size_execute0_lowered;
	s4 =	sadd.s32 s4, s6;
	[dreg:$0x0] =	wrdreg $0x0  }
0xa9: {  	s6 =	sshll.u32 s28, $0x1;
	[dreg:$0x2] =	wrdreg s4  }
0xaa: {  	[dreg:$0x3] =	wrdreg s6  }
0xab: {  	[dreg:$0x4] =	wrdreg $0xC0  }
0xac: {  	_ =	task [dreg:s8], $0x5FFFF  }
0xad: {  	[dreg:$0x1] =	wrdreg $0xFFFFFFFF  }
0xae: {  	[dreg:$0x0] =	wrdreg $0x60  }
0xaf: {  	[dreg:$0x2] =	wrdreg s24  }
0xb0: {  	[dreg:$0x3] =	wrdreg s2  }
0xb1: {  	[dreg:$0x4] =	wrdreg s18  }
0xb2: {  	[dreg:$0x5] =	wrdreg $0x9  }
0xb3: {  	_ =	task.clear_ibuf [dreg:s8], $0x6FFFF;
	_ =	strace $0x90000046  }
0xb4: {  	s29 =	simm.s32 $0x9;
	_ =	strace $0x80000048  }
0xb5: {  	_ =	swait.ge [sflag:s29], $0x1  }
0xb6: {  	[sflag:s29] =	ssyncadd.s32 $0xFFFFFFFF  }
0xb7: {  	_ =	strace $0x90000048  }
0xb8: {  	_ =	sfence  }
0xb9: {  	s30 =	sld [smem:$0x0];
	_ =	sdelay $0x2  }
0xba: {  	s31 =	sshll.u32 s1, $0xD;
	s1 =	sshrl.u32 s1, $0x2  }
0xbb: {  	s3 =	sand.u32 $0x4000, s31;
	s1 =	sadd.s32 s1, s30  }
0xbc: {  	s0 =	sor.u32 s3, s0;
	s1 =	sshll.u32 s1, $0x11  }
0xbd: {  	s0 =	sor.u32 s1, s0  }
0xbe: {  	s0 =	sadd.s32 $0x8F2B, s0  }
0xbf: {  	[sflag:s0] =	ssyncadd.remote.s32 $0x1  }
0xc0: {  	_ =	sfence.sel $0xFFFF  }
0xc1: {  	[dreg:$0x0] =	wrdreg $0xFFFFFFFF;
	(pc) =	sbr.abs _section_cstart, $3  }
0xc2: {  	[dreg:$0x1] =	wrdreg $0xFFFFFFFF  }
0xc3: {  	_ =	task.clear_ibuf [dreg:s8], $0x2FFFF;
	_ =	strace $0x9FFFFFFF  }
0xc4: {  	(tm) =	ssettm $0x7FFFFFFF  }
0xc5: {  	_ =	shalt  }
tec
execute0_lowered:
.L_overlay_start_1:
0x0: {  	(tag) =	ssettag $0x1  }
0x1: {  	s0 =	rddreg [dreg:$0x0]  }
0x2: {  	s1 =	rddreg [dreg:$0x1]  }
0x3: {  	s2 =	rddreg [dreg:$0x2]  }
0x4: {  	s3 =	simm.s32 $0x0;
	s4 =	srdreg.scid;
	s5 =	stileid.u32  }
0x5: {  	s28 =	simm.s32 $0x6200;
	s30 =	simm.s32 $0x8200;
	s31 =	simm.s32 $0x1  }
0x6: {  	s20 =	simm.s32 $0x5200;
	s29 =	simm.s32 $0x3;
	s19 =	simm.s32 $0x6  }
0x7: {  	s8 =	simm.s32 $0x8;
	s9 =	simm.s32 $0x9;
	s10 =	simm.s32 $0xA  }
0x8: {  	[smem:$0x7FF] =	sst s3;
	s4 =	sand.u32 $0x1, s4;
	s5 =	sshll.u32 s5, $0x1  }
0x9: {  	_ =	strace $0x80000047;
	s5 =	sor.u32 s4, s5;
	s4 =	ssub.s32 $0x2, s4  }
0xa: {  	s6 =	sshll.u32 s5, $0x4;
	s5 =	sshll.u32 s5, $0xA;
	s7 =	sshrl.u32 s4, $0x1  }
0xb: {  	s6 =	sadd.s32 s6, s0;
	s0 =	sadd.s32 s5, s0;
	s4 =	ssub.s32 s4, s7  }
0xc: {  	s7 =	simm.s32 $0x7;
	s6 =	sadd.s32 $0x400, s6;
	s0 =	sadd.s32 $0xC00, s0  }
0xd: {  	s18 =	smax.u32 s4, $0x1;
	s4 =	simm.s32 $0x4;
	[dreg:$0x4] =	wrdreg s6  }
0xe: {  	[dreg:$0x5] =	wrdreg s0;
	s6 =	sadd.s32 s2, s5;
	s0 =	simm.s32 $0x3200  }
0xf: {  	s2 =	simm.s32 $0x9200;
	s5 =	simm.s32 $0x5;
	s21 =	sadd.s32 $0x8000, s6  }
0x10: {  	s22 =	sadd.s32 $0x10000, s6;
	s23 =	sadd.s32 $0x18000, s6;
	[dreg:$0x6] =	wrdreg s21  }
0x11: {  	s24 =	sadd.s32 $0x100, s6;
	s25 =	sadd.s32 $0x8100, s6;
	[dreg:$0x7] =	wrdreg s22  }
0x12: {  	s26 =	sadd.s32 $0x10100, s6;
	s13 =	sadd.s32 $0x18100, s6;
	[dreg:$0x8] =	wrdreg s23  }
0x13: {  	s14 =	sadd.s32 $0x200, s6;
	s15 =	sadd.s32 $0x8200, s6;
	[dreg:$0x9] =	wrdreg s24  }
0x14: {  	s16 =	sadd.s32 $0x10200, s6;
	s17 =	sadd.s32 $0x18200, s6;
	[dreg:$0xa] =	wrdreg s25  }
0x15: {  	[dreg:$0xb] =	wrdreg s26;
	s21 =	simm.s32 $0xB;
	s22 =	simm.s32 $0x20  }
0x16: {  	s26 =	simm.s32 $0x7200;
	s24 =	simm.s32 $0x2;
	s23 =	simm.s32 $0x0  }
.LBB2_1:
0x17: {  	s11 =	rddreg [dreg:$0x4];
	s12 =	simm.s32 $0x80;
	s25 =	simm.s32 $0x1000  }
0x18: {  	[tilespmem:s3], [sflag:$0xB] =	stream.strided.gather [hbm4b:s11+s12], $0x200, s25, s12, $0x38;
	[tilespmem:$0xA200] =	vst v63  }
0x19: {  	_ =	swait.ge [sflag:s21], $0x200  }
0x1a: {  	[sflag:s21] =	ssyncset.done $0x0  }
0x1b: {  	s25 =	simm.s32 $0x2200;
	[sflag:s21] =	ssyncadd.s32 $0xFFFFFE00  }
0x1c: {  	[tilespmem:s25], [sflag:$0x2] =	stream.indirect.gather [hbm4b:s1+s22], $0x80, s3, s22, $0xb8;
	[tilespmem:$0xA200] =	vst v63  }
0x1d: {  	s11 =	rddreg [dreg:$0x5];
	s25 =	simm.s32 $0x200  }
0x1e: {  	[tilespmem:s25], [sflag:$0x1] =	stream.linear.gather [hbm4b:s11+s3], $0x2000, $0x38;
	[tilespmem:$0xA200] =	vst v63  }
0x1f: {  	s25 =	simm.s32 $0x4200  }
0x20: {  	[tilespmem:s25], [sflag:$0x3] =	stream.indirect.gather [hbm4b:s1+s22], $0x80, s12, s22, $0xb8;
	[tilespmem:$0xA200] =	vst v63  }
0x21: {  	s12 =	simm.s32 $0x100  }
0x22: {  	[tilespmem:s28], [sflag:$0x4] =	stream.indirect.gather [hbm4b:s1+s22], $0x80, s12, s22, $0xb8;
	[tilespmem:$0xA200] =	vst v63  }
0x23: {  	s25 =	simm.s32 $0x180  }
0x24: {  	[tilespmem:s30], [sflag:$0x5] =	stream.indirect.gather [hbm4b:s1+s22], $0x80, s25, s22, $0xb8;
	[tilespmem:$0xA200] =	vst v63  }
0x25: {  	_ =	swait.ge [sflag:s31], $0x2000  }
0x26: {  	[sflag:s31] =	ssyncset.done $0x0  }
0x27: {  	s11 =	simm.s32 $0x0;
	[sflag:s31] =	ssyncadd.s32 $0xFFFFE000  }
0x28: {  	v5 =	vld [tilespmem:s11+$0x1270]  }
0x29: {  	v6 =	vld [tilespmem:s11+$0x1200]  }
0x2a: {  	v7 =	vld [tilespmem:s11+$0x1210]  }
0x2b: {  	v4 =	vld [tilespmem:s11+$0x1220]  }
0x2c: {  	v0 =	vld [tilespmem:s11+$0x1230]  }
0x2d: {  	v1 =	vld [tilespmem:s11+$0x1240];
	[tilespmem:s11+$0x9270] =	vst v5  }
0x2e: {  	v2 =	vld [tilespmem:s11+$0x1250];
	[tilespmem:s11+$0x3200] =	vst v6  }
0x2f: {  	v3 =	vld [tilespmem:s11+$0x1260];
	[tilespmem:s11+$0x3210] =	vst v7  }
0x30: {  	[tilespmem:s11+$0x3220] =	vst v4  }
0x31: {  	[tilespmem:s11+$0x3230] =	vst v0  }
0x32: {  	[tilespmem:s11+$0x3240] =	vst v1  }
0x33: {  	[tilespmem:s11+$0x3250] =	vst v2  }
0x34: {  	[tilespmem:s11+$0x3260] =	vst v3  }
0x35: {  	[tilespmem:s11+$0x3270] =	vst v5  }
0x36: {  	[tilespmem:s11+$0x5200] =	vst v6  }
0x37: {  	[tilespmem:s11+$0x5210] =	vst v7  }
0x38: {  	[tilespmem:s11+$0x5220] =	vst v4  }
0x39: {  	[tilespmem:s11+$0x5230] =	vst v0  }
0x3a: {  	[tilespmem:s11+$0x5240] =	vst v1  }
0x3b: {  	[tilespmem:s11+$0x5250] =	vst v2  }
0x3c: {  	[tilespmem:s11+$0x5260] =	vst v3  }
0x3d: {  	[tilespmem:s11+$0x5270] =	vst v5  }
0x3e: {  	[tilespmem:s11+$0x7200] =	vst v6  }
0x3f: {  	[tilespmem:s11+$0x7210] =	vst v7  }
0x40: {  	[tilespmem:s11+$0x7220] =	vst v4  }
0x41: {  	[tilespmem:s11+$0x7230] =	vst v0  }
0x42: {  	[tilespmem:s11+$0x7240] =	vst v1  }
0x43: {  	[tilespmem:s11+$0x7250] =	vst v2  }
0x44: {  	[tilespmem:s11+$0x7260] =	vst v3  }
0x45: {  	[tilespmem:s11+$0x7270] =	vst v5  }
0x46: {  	[tilespmem:s11+$0x9200] =	vst v6  }
0x47: {  	s12 =	simm.s32 $0x400;
	s25 =	simm.s32 $0x80;
	[tilespmem:s11+$0x9210] =	vst v7  }
.LBB2_2:
0x48: {  	p0 =	sne.s32 s12, $0x3E00;
	v5 =	vld [tilespmem:s25+$0x1270];
	[tilespmem:s11+$0x9220] =	vst v4  }
0x49: {  	v6 =	vld [tilespmem:s25+$0x1200];
	[tilespmem:s11+$0x9230] =	vst v0  }
0x4a: {  	v7 =	vld [tilespmem:s25+$0x1210];
	[tilespmem:s11+$0x9240] =	vst v1  }
0x4b: {  	v4 =	vld [tilespmem:s25+$0x1220];
	[tilespmem:s11+$0x9250] =	vst v2  }
0x4c: {  	v0 =	vld [tilespmem:s25+$0x1230];
	[tilespmem:s11+$0x9260] =	vst v3;
	s11 =	smov.u32 s25  }
0x4d: {  	v1 =	vld [tilespmem:s11+$0x1240];
	[tilespmem:s11+$0x9270] =	vst v5  }
0x4e: {  	v2 =	vld [tilespmem:s11+$0x1250];
	[tilespmem:s11+$0x3200] =	vst v6  }
0x4f: {  	v3 =	vld [tilespmem:s11+$0x1260];
	[tilespmem:s11+$0x3210] =	vst v7  }
0x50: {  	[tilespmem:s11+$0x3220] =	vst v4  }
0x51: {  	[tilespmem:s11+$0x3230] =	vst v0  }
0x52: {  	[tilespmem:s11+$0x3240] =	vst v1  }
0x53: {  	[tilespmem:s11+$0x3250] =	vst v2  }
0x54: {  	[tilespmem:s11+$0x3260] =	vst v3  }
0x55: {  	[tilespmem:s11+$0x3270] =	vst v5  }
0x56: {  	[tilespmem:s11+$0x5200] =	vst v6  }
0x57: {  	[tilespmem:s11+$0x5210] =	vst v7  }
0x58: {  	[tilespmem:s11+$0x5220] =	vst v4  }
0x59: {  	[tilespmem:s11+$0x5230] =	vst v0  }
0x5a: {  	[tilespmem:s11+$0x5240] =	vst v1  }
0x5b: {  	[tilespmem:s11+$0x5250] =	vst v2  }
0x5c: {  	[tilespmem:s11+$0x5260] =	vst v3  }
0x5d: {  	[tilespmem:s11+$0x5270] =	vst v5  }
0x5e: {  	[tilespmem:s11+$0x7200] =	vst v6  }
0x5f: {  	[tilespmem:s11+$0x7210] =	vst v7  }
0x60: {  	[tilespmem:s11+$0x7220] =	vst v4  }
0x61: {  	[tilespmem:s11+$0x7230] =	vst v0  }
0x62: {  	[tilespmem:s11+$0x7240] =	vst v1  }
.Ltmp0:
0x63: {  	[tilespmem:s11+$0x7250] =	vst v2;
	(pc) =	sbr.rel @p0 .LBB2_2-.Ltmp0, $4  }
0x64: {  	[tilespmem:s11+$0x7260] =	vst v3  }
0x65: {  	[tilespmem:s11+$0x7270] =	vst v5  }
0x66: {  	[tilespmem:s11+$0x9200] =	vst v6  }
0x67: {  	s25 =	sshra.s32 s12, $0x2;
	s12 =	sadd.s32 $0x200, s12;
	[tilespmem:s11+$0x9210] =	vst v7  }
0x68: {  	v5 =	vld [tilespmem:s25+$0x1270];
	[tilespmem:s11+$0x9220] =	vst v4  }
0x69: {  	v4 =	vld [tilespmem:s25+$0x1200];
	[tilespmem:s11+$0x9230] =	vst v0  }
0x6a: {  	v0 =	vld [tilespmem:s25+$0x1210];
	[tilespmem:s11+$0x9240] =	vst v1  }
0x6b: {  	v1 =	vld [tilespmem:s25+$0x1220];
	[tilespmem:s11+$0x9250] =	vst v2  }
0x6c: {  	v2 =	vld [tilespmem:s25+$0x1230];
	[tilespmem:s11+$0x9260] =	vst v3  }
0x6d: {  	[tilespmem:s25+$0x9270] =	vst v5  }
0x6e: {  	[tilespmem:s25+$0x3270] =	vst v5  }
0x6f: {  	[tilespmem:s25+$0x5270] =	vst v5  }
0x70: {  	[tilespmem:s25+$0x7270] =	vst v5  }
0x71: {  	[tilespmem:s25+$0x3200] =	vst v4  }
0x72: {  	[tilespmem:s25+$0x5200] =	vst v4  }
0x73: {  	[tilespmem:s25+$0x7200] =	vst v4  }
0x74: {  	[tilespmem:s25+$0x9200] =	vst v4  }
0x75: {  	[tilespmem:s25+$0x3210] =	vst v0  }
0x76: {  	[tilespmem:s25+$0x5210] =	vst v0  }
0x77: {  	[tilespmem:s25+$0x7210] =	vst v0  }
0x78: {  	[tilespmem:s25+$0x9210] =	vst v0  }
0x79: {  	[tilespmem:s25+$0x3220] =	vst v1  }
0x7a: {  	[tilespmem:s25+$0x5220] =	vst v1  }
0x7b: {  	[tilespmem:s25+$0x7220] =	vst v1  }
0x7c: {  	v3 =	vld [tilespmem:s25+$0x1240];
	[tilespmem:s25+$0x9220] =	vst v1  }
0x7d: {  	v6 =	vld [tilespmem:s25+$0x1250];
	[tilespmem:s25+$0x3230] =	vst v2  }
0x7e: {  	v7 =	vld [tilespmem:s25+$0x1260];
	[tilespmem:s25+$0x5230] =	vst v2  }
0x7f: {  	[tilespmem:s25+$0x7230] =	vst v2  }
0x80: {  	[tilespmem:s25+$0x9230] =	vst v2  }
0x81: {  	[tilespmem:s25+$0x3240] =	vst v3  }
0x82: {  	[tilespmem:s25+$0x3250] =	vst v6  }
0x83: {  	[tilespmem:s25+$0x3260] =	vst v7  }
0x84: {  	[tilespmem:s25+$0x5240] =	vst v3  }
0x85: {  	[tilespmem:s25+$0x5250] =	vst v6  }
0x86: {  	[tilespmem:s25+$0x5260] =	vst v7  }
0x87: {  	[tilespmem:s25+$0x7240] =	vst v3  }
0x88: {  	[tilespmem:s25+$0x7250] =	vst v6  }
0x89: {  	[tilespmem:s25+$0x7260] =	vst v7  }
0x8a: {  	[tilespmem:s25+$0x9240] =	vst v3  }
0x8b: {  	[tilespmem:s25+$0x9250] =	vst v6  }
0x8c: {  	[tilespmem:s25+$0x9260] =	vst v7  }
0x8d: {  	[tilespmem:s0], [sflag:$0x6] =	stream.indirect.gather.add.f32 [hbm:s1], $0x80, s22, s22, $0xb8;
	[tilespmem:$0xA200] =	vst v63  }
0x8e: {  	s25 =	simm.s32 $0xA0  }
0x8f: {  	[tilespmem:s20], [sflag:$0x7] =	stream.indirect.gather.add.f32 [hbm:s1], $0x80, s25, s22, $0xb8;
	[tilespmem:$0xA200] =	vst v63  }
0x90: {  	s12 =	simm.s32 $0x120  }
0x91: {  	[tilespmem:s26], [sflag:$0x8] =	stream.indirect.gather.add.f32 [hbm:s1], $0x80, s12, s22, $0xb8;
	[tilespmem:$0xA200] =	vst v63  }
0x92: {  	s25 =	simm.s32 $0x1A0  }
0x93: {  	[tilespmem:s2], [sflag:$0x9] =	stream.indirect.gather.add.f32 [hbm:s1], $0x80, s25, s22, $0xb8;
	[tilespmem:$0xA200] =	vst v63  }
0x94: {  	_ =	swait.ge [sflag:s24], $0x1000  }
0x95: {  	[sflag:s24] =	ssyncset.done $0x0  }
0x96: {  	[sflag:s24] =	ssyncadd.s32 $0xFFFFF000  }
0x97: {  	_ =	swait.ge [sflag:s29], $0x1000  }
0x98: {  	[sflag:s29] =	ssyncset.done $0x0  }
0x99: {  	[sflag:s29] =	ssyncadd.s32 $0xFFFFF000  }
0x9a: {  	_ =	swait.ge [sflag:s4], $0x1000  }
0x9b: {  	[sflag:s4] =	ssyncset.done $0x0  }
0x9c: {  	[sflag:s4] =	ssyncadd.s32 $0xFFFFF000  }
0x9d: {  	_ =	swait.ge [sflag:s5], $0x1000  }
0x9e: {  	[sflag:s5] =	ssyncset.done $0x0  }
0x9f: {  	s11 =	simm.s32 $0x0;
	[sflag:s5] =	ssyncadd.s32 $0xFFFFF000  }
0xa0: {  	v6 =	vld [tilespmem:s11+$0x200]  }
0xa1: {  	v7 =	vld [tilespmem:s11+$0x210]  }
0xa2: {  	v5 =	vld [tilespmem:s11+$0x220]  }
0xa3: {  	v4 =	vld [tilespmem:s11+$0x230]  }
0xa4: {  	v3 =	vld [tilespmem:s11+$0x240]  }
0xa5: {  	v2 =	vld [tilespmem:s11+$0x250]  }
0xa6: {  	v1 =	vld [tilespmem:s11+$0x260]  }
0xa7: {  	v0 =	vld [tilespmem:s11+$0x270]  }
0xa8: {  	v8 =	vld [tilespmem:s11+$0x2200]  }
0xa9: {  	v9 =	vld [tilespmem:s11+$0x2210]  }
0xaa: {  	v10 =	vld [tilespmem:s11+$0x2220]  }
0xab: {  	v11 =	vld [tilespmem:s11+$0x2230]  }
0xac: {  	v12 =	vld [tilespmem:s11+$0x2240]  }
0xad: {  	v13 =	vld [tilespmem:s11+$0x2250];
	v8 =	vadd.f32 v8, v6  }
0xae: {  	v14 =	vld [tilespmem:s11+$0x2260];
	v9 =	vadd.f32 v9, v7  }
0xaf: {  	v10 =	vadd.f32 v10, v5;
	[tilespmem:s11+$0x2200] =	vst v8;
	v8 =	vld [tilespmem:s11+$0x2270]  }
0xb0: {  	v11 =	vadd.f32 v11, v4;
	[tilespmem:s11+$0x2210] =	vst v9;
	v9 =	vld [tilespmem:s11+$0x4200]  }
0xb1: {  	v12 =	vadd.f32 v12, v3;
	[tilespmem:s11+$0x2220] =	vst v10;
	v10 =	vld [tilespmem:s11+$0x4210]  }
0xb2: {  	v13 =	vadd.f32 v13, v2;
	[tilespmem:s11+$0x2230] =	vst v11;
	v11 =	vld [tilespmem:s11+$0x4220]  }
0xb3: {  	v14 =	vadd.f32 v14, v1;
	[tilespmem:s11+$0x2240] =	vst v12;
	v12 =	vld [tilespmem:s11+$0x4230]  }
0xb4: {  	[tilespmem:s11+$0x2250] =	vst v13;
	v13 =	vld [tilespmem:s11+$0x4240];
	v8 =	vadd.f32 v8, v0  }
0xb5: {  	[tilespmem:s11+$0x2260] =	vst v14;
	v14 =	vld [tilespmem:s11+$0x4250];
	v9 =	vadd.f32 v9, v6  }
0xb6: {  	v10 =	vadd.f32 v10, v7;
	[tilespmem:s11+$0x2270] =	vst v8;
	v8 =	vld [tilespmem:s11+$0x4260]  }
0xb7: {  	v11 =	vadd.f32 v11, v5;
	[tilespmem:s11+$0x4200] =	vst v9;
	v9 =	vld [tilespmem:s11+$0x4270]  }
0xb8: {  	v12 =	vadd.f32 v12, v4;
	[tilespmem:s11+$0x4210] =	vst v10;
	v10 =	vld [tilespmem:s11+$0x6200]  }
0xb9: {  	v13 =	vadd.f32 v13, v3;
	[tilespmem:s11+$0x4220] =	vst v11;
	v11 =	vld [tilespmem:s11+$0x6210]  }
0xba: {  	v14 =	vadd.f32 v14, v2;
	[tilespmem:s11+$0x4230] =	vst v12;
	v12 =	vld [tilespmem:s11+$0x6220]  }
0xbb: {  	[tilespmem:s11+$0x4240] =	vst v13;
	v13 =	vld [tilespmem:s11+$0x6230];
	v8 =	vadd.f32 v8, v1  }
0xbc: {  	[tilespmem:s11+$0x4250] =	vst v14;
	v14 =	vld [tilespmem:s11+$0x6240];
	v9 =	vadd.f32 v9, v0  }
0xbd: {  	v10 =	vadd.f32 v10, v6;
	[tilespmem:s11+$0x4260] =	vst v8;
	v8 =	vld [tilespmem:s11+$0x6250]  }
0xbe: {  	v15 =	vld [tilespmem:s11+$0x6260];
	[tilespmem:s11+$0x4270] =	vst v9;
	v9 =	vadd.f32 v11, v7  }
0xbf: {  	[tilespmem:s11+$0x6200] =	vst v10;
	v11 =	vld [tilespmem:s11+$0x6270];
	v10 =	vadd.f32 v12, v5  }
0xc0: {  	v12 =	vld [tilespmem:s11+$0x8200];
	[tilespmem:s11+$0x6210] =	vst v9;
	v9 =	vadd.f32 v13, v4  }
0xc1: {  	[tilespmem:s11+$0x6220] =	vst v10;
	v13 =	vld [tilespmem:s11+$0x8210];
	v10 =	vadd.f32 v14, v3  }
0xc2: {  	[tilespmem:s11+$0x6230] =	vst v9;
	v9 =	vld [tilespmem:s11+$0x8220];
	v14 =	vadd.f32 v8, v2  }
0xc3: {  	v15 =	vadd.f32 v15, v1;
	[tilespmem:s11+$0x6240] =	vst v10;
	v8 =	vld [tilespmem:s11+$0x8230]  }
0xc4: {  	v10 =	vld [tilespmem:s11+$0x8240];
	[tilespmem:s11+$0x6250] =	vst v14;
	v14 =	vadd.f32 v11, v0  }
0xc5: {  	[tilespmem:s11+$0x6260] =	vst v15;
	v6 =	vadd.f32 v12, v6;
	v11 =	vld [tilespmem:s11+$0x8250]  }
0xc6: {  	s12 =	simm.s32 $0x200;
	v12 =	vld [tilespmem:s11+$0x8260];
	v7 =	vadd.f32 v13, v7;
	[tilespmem:s11+$0x6270] =	vst v14  }
.LBB2_4:
0xc7: {  	s25 =	sshra.s32 s12, $0x2;
	p0 =	sne.s32 s12, $0x1E00;
	[tilespmem:s11+$0x8200] =	vst v6;
	v5 =	vadd.f32 v9, v5;
	v9 =	vld [tilespmem:s11+$0x8270]  }
0xc8: {  	v6 =	vld [tilespmem:s25+$0x200];
	[tilespmem:s11+$0x8210] =	vst v7;
	v4 =	vadd.f32 v8, v4  }
0xc9: {  	v7 =	vld [tilespmem:s25+$0x210];
	[tilespmem:s11+$0x8220] =	vst v5;
	v3 =	vadd.f32 v10, v3  }
0xca: {  	v5 =	vld [tilespmem:s25+$0x220];
	[tilespmem:s11+$0x8230] =	vst v4;
	v2 =	vadd.f32 v11, v2  }
0xcb: {  	v4 =	vld [tilespmem:s25+$0x230];
	[tilespmem:s11+$0x8240] =	vst v3;
	v1 =	vadd.f32 v12, v1  }
0xcc: {  	v3 =	vld [tilespmem:s25+$0x240];
	[tilespmem:s11+$0x8250] =	vst v2;
	v0 =	vadd.f32 v9, v0  }
0xcd: {  	v2 =	vld [tilespmem:s25+$0x250];
	[tilespmem:s11+$0x8260] =	vst v1  }
0xce: {  	v1 =	vld [tilespmem:s25+$0x260];
	[tilespmem:s11+$0x8270] =	vst v0;
	s11 =	smov.u32 s25  }
0xcf: {  	v0 =	vld [tilespmem:s11+$0x270]  }
0xd0: {  	v8 =	vld [tilespmem:s11+$0x2200]  }
0xd1: {  	v9 =	vld [tilespmem:s11+$0x2210]  }
0xd2: {  	v10 =	vld [tilespmem:s11+$0x2220]  }
0xd3: {  	v11 =	vld [tilespmem:s11+$0x2230]  }
0xd4: {  	v12 =	vld [tilespmem:s11+$0x2240]  }
0xd5: {  	v8 =	vadd.f32 v8, v6;
	v13 =	vld [tilespmem:s11+$0x2250]  }
0xd6: {  	v9 =	vadd.f32 v9, v7;
	v14 =	vld [tilespmem:s11+$0x2260]  }
0xd7: {  	[tilespmem:s11+$0x2200] =	vst v8;
	v8 =	vadd.f32 v10, v5;
	v10 =	vld [tilespmem:s11+$0x2270]  }
0xd8: {  	[tilespmem:s11+$0x2210] =	vst v9;
	v9 =	vadd.f32 v11, v4;
	v11 =	vld [tilespmem:s11+$0x4200]  }
0xd9: {  	[tilespmem:s11+$0x2220] =	vst v8;
	v8 =	vadd.f32 v12, v3;
	v12 =	vld [tilespmem:s11+$0x4210]  }
0xda: {  	[tilespmem:s11+$0x2230] =	vst v9;
	v9 =	vadd.f32 v13, v2;
	v13 =	vld [tilespmem:s11+$0x4220]  }
0xdb: {  	[tilespmem:s11+$0x2240] =	vst v8;
	v8 =	vadd.f32 v14, v1;
	v14 =	vld [tilespmem:s11+$0x4230]  }
0xdc: {  	[tilespmem:s11+$0x2250] =	vst v9;
	v9 =	vadd.f32 v10, v0;
	v10 =	vld [tilespmem:s11+$0x4240]  }
0xdd: {  	[tilespmem:s11+$0x2260] =	vst v8;
	v8 =	vadd.f32 v11, v6;
	v11 =	vld [tilespmem:s11+$0x4250]  }
0xde: {  	[tilespmem:s11+$0x2270] =	vst v9;
	v9 =	vadd.f32 v12, v7;
	v12 =	vld [tilespmem:s11+$0x4260]  }
0xdf: {  	[tilespmem:s11+$0x4200] =	vst v8;
	v8 =	vadd.f32 v13, v5;
	v13 =	vld [tilespmem:s11+$0x4270]  }
0xe0: {  	[tilespmem:s11+$0x4210] =	vst v9;
	v9 =	vadd.f32 v14, v4;
	v14 =	vld [tilespmem:s11+$0x6200]  }
0xe1: {  	[tilespmem:s11+$0x4220] =	vst v8;
	v8 =	vadd.f32 v10, v3;
	v10 =	vld [tilespmem:s11+$0x6210]  }
0xe2: {  	[tilespmem:s11+$0x4230] =	vst v9;
	v9 =	vadd.f32 v11, v2;
	v11 =	vld [tilespmem:s11+$0x6220]  }
0xe3: {  	[tilespmem:s11+$0x4240] =	vst v8;
	v8 =	vadd.f32 v12, v1;
	v12 =	vld [tilespmem:s11+$0x6230]  }
0xe4: {  	[tilespmem:s11+$0x4250] =	vst v9;
	v9 =	vadd.f32 v13, v0;
	v13 =	vld [tilespmem:s11+$0x6240]  }
0xe5: {  	[tilespmem:s11+$0x4260] =	vst v8;
	v8 =	vadd.f32 v14, v6;
	v14 =	vld [tilespmem:s11+$0x6250]  }
0xe6: {  	[tilespmem:s11+$0x4270] =	vst v9;
	v9 =	vadd.f32 v10, v7;
	v10 =	vld [tilespmem:s11+$0x6260]  }
0xe7: {  	[tilespmem:s11+$0x6200] =	vst v8;
	v8 =	vadd.f32 v11, v5;
	v11 =	vld [tilespmem:s11+$0x6270]  }
0xe8: {  	[tilespmem:s11+$0x6210] =	vst v9;
	v9 =	vadd.f32 v12, v4;
	v12 =	vld [tilespmem:s11+$0x8200]  }
0xe9: {  	[tilespmem:s11+$0x6220] =	vst v8;
	v8 =	vadd.f32 v13, v3;
	v13 =	vld [tilespmem:s11+$0x8210]  }
.Ltmp1:
0xea: {  	[tilespmem:s11+$0x6230] =	vst v9;
	v14 =	vadd.f32 v14, v2;
	v9 =	vld [tilespmem:s11+$0x8220];
	(pc) =	sbr.rel @p0 .LBB2_4-.Ltmp1, $4  }
0xeb: {  	[tilespmem:s11+$0x6240] =	vst v8;
	v15 =	vadd.f32 v10, v1;
	v8 =	vld [tilespmem:s11+$0x8230]  }
0xec: {  	[tilespmem:s11+$0x6250] =	vst v14;
	v14 =	vadd.f32 v11, v0;
	v10 =	vld [tilespmem:s11+$0x8240]  }
0xed: {  	[tilespmem:s11+$0x6260] =	vst v15;
	v6 =	vadd.f32 v12, v6;
	v11 =	vld [tilespmem:s11+$0x8250]  }
0xee: {  	s12 =	sadd.s32 $0x200, s12;
	[tilespmem:s11+$0x6270] =	vst v14;
	v7 =	vadd.f32 v13, v7;
	v12 =	vld [tilespmem:s11+$0x8260]  }
0xef: {  	[tilespmem:s11+$0x8200] =	vst v6;
	v5 =	vadd.f32 v9, v5;
	v6 =	vld [tilespmem:s11+$0x8270]  }
0xf0: {  	[tilespmem:s11+$0x8210] =	vst v7;
	v4 =	vadd.f32 v8, v4  }
0xf1: {  	[tilespmem:s11+$0x8220] =	vst v5;
	v3 =	vadd.f32 v10, v3  }
0xf2: {  	[tilespmem:s11+$0x8230] =	vst v4;
	v2 =	vadd.f32 v11, v2  }
0xf3: {  	[tilespmem:s11+$0x8240] =	vst v3;
	v1 =	vadd.f32 v12, v1  }
0xf4: {  	[tilespmem:s11+$0x8250] =	vst v2;
	v0 =	vadd.f32 v6, v0  }
0xf5: {  	[tilespmem:s11+$0x8260] =	vst v1  }
0xf6: {  	s12 =	simm.s32 $0x2200;
	[tilespmem:s11+$0x8270] =	vst v0;
	s11 =	simm.s32 $0x0  }
0xf7: {  	[hbm4b:s6+s11] =	stream.linear.scatter [tilespmem:s12], [sflag:$0xA], $0x800, $0x38;
	[tilespmem:$0xA200] =	vst v63  }
0xf8: {  	s25 =	simm.s32 $0x4200;
	s12 =	rddreg [dreg:$0x6]  }
0xf9: {  	[hbm4b:s12+s11] =	stream.linear.scatter [tilespmem:s25], [sflag:$0xA], $0x800, $0x38;
	[tilespmem:$0xA200] =	vst v63  }
0xfa: {  	s25 =	rddreg [dreg:$0x7]  }
0xfb: {  	[hbm4b:s25+s11] =	stream.linear.scatter [tilespmem:s28], [sflag:$0xA], $0x800, $0x38;
	[tilespmem:$0xA200] =	vst v63  }
0xfc: {  	s25 =	rddreg [dreg:$0x8]  }
0xfd: {  	[hbm4b:s25+s11] =	stream.linear.scatter [tilespmem:s30], [sflag:$0xA], $0x800, $0x38;
	[tilespmem:$0xA200] =	vst v63  }
0xfe: {  	s11 =	simm.s32 $0x0  }
0xff: {  	v6 =	vld [tilespmem:s11+$0xA00]  }
0x100: {  	v7 =	vld [tilespmem:s11+$0xA10]  }
0x101: {  	v5 =	vld [tilespmem:s11+$0xA20]  }
0x102: {  	v4 =	vld [tilespmem:s11+$0xA30]  }
0x103: {  	v3 =	vld [tilespmem:s11+$0xA40]  }
0x104: {  	v2 =	vld [tilespmem:s11+$0xA50]  }
0x105: {  	v1 =	vld [tilespmem:s11+$0xA60]  }
0x106: {  	v0 =	vld [tilespmem:s11+$0xA70]  }
0x107: {  	v8 =	vld [tilespmem:s11+$0x2A00]  }
0x108: {  	v9 =	vld [tilespmem:s11+$0x2A10]  }
0x109: {  	v10 =	vld [tilespmem:s11+$0x2A20]  }
0x10a: {  	v11 =	vld [tilespmem:s11+$0x2A30]  }
0x10b: {  	v12 =	vld [tilespmem:s11+$0x2A40]  }
0x10c: {  	v13 =	vld [tilespmem:s11+$0x2A50];
	v8 =	vadd.f32 v8, v6  }
0x10d: {  	v14 =	vld [tilespmem:s11+$0x2A60];
	v9 =	vadd.f32 v9, v7  }
0x10e: {  	v10 =	vadd.f32 v10, v5;
	[tilespmem:s11+$0x2A00] =	vst v8;
	v8 =	vld [tilespmem:s11+$0x2A70]  }
0x10f: {  	v11 =	vadd.f32 v11, v4;
	[tilespmem:s11+$0x2A10] =	vst v9;
	v9 =	vld [tilespmem:s11+$0x4A00]  }
0x110: {  	v12 =	vadd.f32 v12, v3;
	[tilespmem:s11+$0x2A20] =	vst v10;
	v10 =	vld [tilespmem:s11+$0x4A10]  }
0x111: {  	v13 =	vadd.f32 v13, v2;
	[tilespmem:s11+$0x2A30] =	vst v11;
	v11 =	vld [tilespmem:s11+$0x4A20]  }
0x112: {  	v14 =	vadd.f32 v14, v1;
	[tilespmem:s11+$0x2A40] =	vst v12;
	v12 =	vld [tilespmem:s11+$0x4A30]  }
0x113: {  	[tilespmem:s11+$0x2A50] =	vst v13;
	v13 =	vld [tilespmem:s11+$0x4A40];
	v8 =	vadd.f32 v8, v0  }
0x114: {  	[tilespmem:s11+$0x2A60] =	vst v14;
	v14 =	vld [tilespmem:s11+$0x4A50];
	v9 =	vadd.f32 v9, v6  }
0x115: {  	v10 =	vadd.f32 v10, v7;
	[tilespmem:s11+$0x2A70] =	vst v8;
	v8 =	vld [tilespmem:s11+$0x4A60]  }
0x116: {  	v11 =	vadd.f32 v11, v5;
	[tilespmem:s11+$0x4A00] =	vst v9;
	v9 =	vld [tilespmem:s11+$0x4A70]  }
0x117: {  	v12 =	vadd.f32 v12, v4;
	[tilespmem:s11+$0x4A10] =	vst v10;
	v10 =	vld [tilespmem:s11+$0x6A00]  }
0x118: {  	v13 =	vadd.f32 v13, v3;
	[tilespmem:s11+$0x4A20] =	vst v11;
	v11 =	vld [tilespmem:s11+$0x6A10]  }
0x119: {  	v14 =	vadd.f32 v14, v2;
	[tilespmem:s11+$0x4A30] =	vst v12;
	v12 =	vld [tilespmem:s11+$0x6A20]  }
0x11a: {  	[tilespmem:s11+$0x4A40] =	vst v13;
	v13 =	vld [tilespmem:s11+$0x6A30];
	v8 =	vadd.f32 v8, v1  }
0x11b: {  	[tilespmem:s11+$0x4A50] =	vst v14;
	v14 =	vld [tilespmem:s11+$0x6A40];
	v9 =	vadd.f32 v9, v0  }
0x11c: {  	v10 =	vadd.f32 v10, v6;
	[tilespmem:s11+$0x4A60] =	vst v8;
	v8 =	vld [tilespmem:s11+$0x6A50]  }
0x11d: {  	v15 =	vld [tilespmem:s11+$0x6A60];
	[tilespmem:s11+$0x4A70] =	vst v9;
	v9 =	vadd.f32 v11, v7  }
0x11e: {  	[tilespmem:s11+$0x6A00] =	vst v10;
	v11 =	vld [tilespmem:s11+$0x6A70];
	v10 =	vadd.f32 v12, v5  }
0x11f: {  	v12 =	vld [tilespmem:s11+$0x8A00];
	[tilespmem:s11+$0x6A10] =	vst v9;
	v9 =	vadd.f32 v13, v4  }
0x120: {  	[tilespmem:s11+$0x6A20] =	vst v10;
	v13 =	vld [tilespmem:s11+$0x8A10];
	v10 =	vadd.f32 v14, v3  }
0x121: {  	[tilespmem:s11+$0x6A30] =	vst v9;
	v9 =	vld [tilespmem:s11+$0x8A20];
	v14 =	vadd.f32 v8, v2  }
0x122: {  	v15 =	vadd.f32 v15, v1;
	[tilespmem:s11+$0x6A40] =	vst v10;
	v8 =	vld [tilespmem:s11+$0x8A30]  }
0x123: {  	v10 =	vld [tilespmem:s11+$0x8A40];
	[tilespmem:s11+$0x6A50] =	vst v14;
	v14 =	vadd.f32 v11, v0  }
0x124: {  	[tilespmem:s11+$0x6A60] =	vst v15;
	v6 =	vadd.f32 v12, v6;
	v11 =	vld [tilespmem:s11+$0x8A50]  }
0x125: {  	s12 =	simm.s32 $0x200;
	v12 =	vld [tilespmem:s11+$0x8A60];
	v7 =	vadd.f32 v13, v7;
	[tilespmem:s11+$0x6A70] =	vst v14  }
.LBB2_6:
0x126: {  	s25 =	sshra.s32 s12, $0x2;
	p0 =	sne.s32 s12, $0x1E00;
	[tilespmem:s11+$0x8A00] =	vst v6;
	v5 =	vadd.f32 v9, v5;
	v9 =	vld [tilespmem:s11+$0x8A70]  }
0x127: {  	v6 =	vld [tilespmem:s25+$0xA00];
	[tilespmem:s11+$0x8A10] =	vst v7;
	v4 =	vadd.f32 v8, v4  }
0x128: {  	v7 =	vld [tilespmem:s25+$0xA10];
	[tilespmem:s11+$0x8A20] =	vst v5;
	v3 =	vadd.f32 v10, v3  }
0x129: {  	v5 =	vld [tilespmem:s25+$0xA20];
	[tilespmem:s11+$0x8A30] =	vst v4;
	v2 =	vadd.f32 v11, v2  }
0x12a: {  	v4 =	vld [tilespmem:s25+$0xA30];
	[tilespmem:s11+$0x8A40] =	vst v3;
	v1 =	vadd.f32 v12, v1  }
0x12b: {  	v3 =	vld [tilespmem:s25+$0xA40];
	[tilespmem:s11+$0x8A50] =	vst v2;
	v0 =	vadd.f32 v9, v0  }
0x12c: {  	v2 =	vld [tilespmem:s25+$0xA50];
	[tilespmem:s11+$0x8A60] =	vst v1  }
0x12d: {  	v1 =	vld [tilespmem:s25+$0xA60];
	[tilespmem:s11+$0x8A70] =	vst v0;
	s11 =	smov.u32 s25  }
0x12e: {  	v0 =	vld [tilespmem:s11+$0xA70]  }
0x12f: {  	v8 =	vld [tilespmem:s11+$0x2A00]  }
0x130: {  	v9 =	vld [tilespmem:s11+$0x2A10]  }
0x131: {  	v10 =	vld [tilespmem:s11+$0x2A20]  }
0x132: {  	v11 =	vld [tilespmem:s11+$0x2A30]  }
0x133: {  	v12 =	vld [tilespmem:s11+$0x2A40]  }
0x134: {  	v8 =	vadd.f32 v8, v6;
	v13 =	vld [tilespmem:s11+$0x2A50]  }
0x135: {  	v9 =	vadd.f32 v9, v7;
	v14 =	vld [tilespmem:s11+$0x2A60]  }
0x136: {  	[tilespmem:s11+$0x2A00] =	vst v8;
	v8 =	vadd.f32 v10, v5;
	v10 =	vld [tilespmem:s11+$0x2A70]  }
0x137: {  	[tilespmem:s11+$0x2A10] =	vst v9;
	v9 =	vadd.f32 v11, v4;
	v11 =	vld [tilespmem:s11+$0x4A00]  }
0x138: {  	[tilespmem:s11+$0x2A20] =	vst v8;
	v8 =	vadd.f32 v12, v3;
	v12 =	vld [tilespmem:s11+$0x4A10]  }
0x139: {  	[tilespmem:s11+$0x2A30] =	vst v9;
	v9 =	vadd.f32 v13, v2;
	v13 =	vld [tilespmem:s11+$0x4A20]  }
0x13a: {  	[tilespmem:s11+$0x2A40] =	vst v8;
	v8 =	vadd.f32 v14, v1;
	v14 =	vld [tilespmem:s11+$0x4A30]  }
0x13b: {  	[tilespmem:s11+$0x2A50] =	vst v9;
	v9 =	vadd.f32 v10, v0;
	v10 =	vld [tilespmem:s11+$0x4A40]  }
0x13c: {  	[tilespmem:s11+$0x2A60] =	vst v8;
	v8 =	vadd.f32 v11, v6;
	v11 =	vld [tilespmem:s11+$0x4A50]  }
0x13d: {  	[tilespmem:s11+$0x2A70] =	vst v9;
	v9 =	vadd.f32 v12, v7;
	v12 =	vld [tilespmem:s11+$0x4A60]  }
0x13e: {  	[tilespmem:s11+$0x4A00] =	vst v8;
	v8 =	vadd.f32 v13, v5;
	v13 =	vld [tilespmem:s11+$0x4A70]  }
0x13f: {  	[tilespmem:s11+$0x4A10] =	vst v9;
	v9 =	vadd.f32 v14, v4;
	v14 =	vld [tilespmem:s11+$0x6A00]  }
0x140: {  	[tilespmem:s11+$0x4A20] =	vst v8;
	v8 =	vadd.f32 v10, v3;
	v10 =	vld [tilespmem:s11+$0x6A10]  }
0x141: {  	[tilespmem:s11+$0x4A30] =	vst v9;
	v9 =	vadd.f32 v11, v2;
	v11 =	vld [tilespmem:s11+$0x6A20]  }
0x142: {  	[tilespmem:s11+$0x4A40] =	vst v8;
	v8 =	vadd.f32 v12, v1;
	v12 =	vld [tilespmem:s11+$0x6A30]  }
0x143: {  	[tilespmem:s11+$0x4A50] =	vst v9;
	v9 =	vadd.f32 v13, v0;
	v13 =	vld [tilespmem:s11+$0x6A40]  }
0x144: {  	[tilespmem:s11+$0x4A60] =	vst v8;
	v8 =	vadd.f32 v14, v6;
	v14 =	vld [tilespmem:s11+$0x6A50]  }
0x145: {  	[tilespmem:s11+$0x4A70] =	vst v9;
	v9 =	vadd.f32 v10, v7;
	v10 =	vld [tilespmem:s11+$0x6A60]  }
0x146: {  	[tilespmem:s11+$0x6A00] =	vst v8;
	v8 =	vadd.f32 v11, v5;
	v11 =	vld [tilespmem:s11+$0x6A70]  }
0x147: {  	[tilespmem:s11+$0x6A10] =	vst v9;
	v9 =	vadd.f32 v12, v4;
	v12 =	vld [tilespmem:s11+$0x8A00]  }
0x148: {  	[tilespmem:s11+$0x6A20] =	vst v8;
	v8 =	vadd.f32 v13, v3;
	v13 =	vld [tilespmem:s11+$0x8A10]  }
.Ltmp2:
0x149: {  	[tilespmem:s11+$0x6A30] =	vst v9;
	v14 =	vadd.f32 v14, v2;
	v9 =	vld [tilespmem:s11+$0x8A20];
	(pc) =	sbr.rel @p0 .LBB2_6-.Ltmp2, $4  }
0x14a: {  	[tilespmem:s11+$0x6A40] =	vst v8;
	v15 =	vadd.f32 v10, v1;
	v8 =	vld [tilespmem:s11+$0x8A30]  }
0x14b: {  	[tilespmem:s11+$0x6A50] =	vst v14;
	v14 =	vadd.f32 v11, v0;
	v10 =	vld [tilespmem:s11+$0x8A40]  }
0x14c: {  	[tilespmem:s11+$0x6A60] =	vst v15;
	v6 =	vadd.f32 v12, v6;
	v11 =	vld [tilespmem:s11+$0x8A50]  }
0x14d: {  	s12 =	sadd.s32 $0x200, s12;
	[tilespmem:s11+$0x6A70] =	vst v14;
	v7 =	vadd.f32 v13, v7;
	v12 =	vld [tilespmem:s11+$0x8A60]  }
0x14e: {  	[tilespmem:s11+$0x8A00] =	vst v6;
	v5 =	vadd.f32 v9, v5;
	v63 =	vld [tilespmem:s11+$0x8A70]  }
0x14f: {  	[tilespmem:s11+$0x8A10] =	vst v7;
	v4 =	vadd.f32 v8, v4  }
0x150: {  	[tilespmem:s11+$0x8A20] =	vst v5;
	v3 =	vadd.f32 v10, v3  }
0x151: {  	[tilespmem:s11+$0x8A30] =	vst v4;
	v2 =	vadd.f32 v11, v2  }
0x152: {  	[tilespmem:s11+$0x8A40] =	vst v3;
	v1 =	vadd.f32 v12, v1  }
0x153: {  	[tilespmem:s11+$0x8A50] =	vst v2;
	v0 =	vadd.f32 v63, v0  }
0x154: {  	[tilespmem:s11+$0x8A60] =	vst v1  }
0x155: {  	s25 =	rddreg [dreg:$0x9];
	s12 =	simm.s32 $0x2A00;
	[tilespmem:s11+$0x8A70] =	vst v0  }
0x156: {  	[hbm4b:s25+s3] =	stream.linear.scatter [tilespmem:s12], [sflag:$0xA], $0x800, $0x38;
	[tilespmem:$0xA200] =	vst v63  }
0x157: {  	s12 =	rddreg [dreg:$0xa];
	s25 =	simm.s32 $0x4A00  }
0x158: {  	[hbm4b:s12+s3] =	stream.linear.scatter [tilespmem:s25], [sflag:$0xA], $0x800, $0x38;
	[tilespmem:$0xA200] =	vst v63  }
0x159: {  	s12 =	rddreg [dreg:$0xb];
	s25 =	simm.s32 $0x6A00  }
0x15a: {  	[hbm4b:s12+s3] =	stream.linear.scatter [tilespmem:s25], [sflag:$0xA], $0x800, $0x38;
	[tilespmem:$0xA200] =	vst v63  }
0x15b: {  	s25 =	simm.s32 $0x8A00  }
0x15c: {  	[hbm4b:s13+s3] =	stream.linear.scatter [tilespmem:s25], [sflag:$0xA], $0x800, $0x38;
	[tilespmem:$0xA200] =	vst v63  }
0x15d: {  	_ =	swait.ge [sflag:s19], $0x1000  }
0x15e: {  	[sflag:s19] =	ssyncset.done $0x0  }
0x15f: {  	[sflag:s19] =	ssyncadd.s32 $0xFFFFF000  }
0x160: {  	[hbm4b:s14+s3] =	stream.linear.scatter [tilespmem:s0], [sflag:$0xA], $0x1000, $0x38;
	[tilespmem:$0xA200] =	vst v63  }
0x161: {  	_ =	swait.ge [sflag:s7], $0x1000  }
0x162: {  	[sflag:s7] =	ssyncset.done $0x0  }
0x163: {  	[sflag:s7] =	ssyncadd.s32 $0xFFFFF000  }
0x164: {  	[hbm4b:s15+s3] =	stream.linear.scatter [tilespmem:s20], [sflag:$0xA], $0x1000, $0x38;
	[tilespmem:$0xA200] =	vst v63  }
0x165: {  	_ =	swait.ge [sflag:s8], $0x1000  }
0x166: {  	[sflag:s8] =	ssyncset.done $0x0  }
0x167: {  	[sflag:s8] =	ssyncadd.s32 $0xFFFFF000  }
0x168: {  	[hbm4b:s16+s3] =	stream.linear.scatter [tilespmem:s26], [sflag:$0xA], $0x1000, $0x38;
	[tilespmem:$0xA200] =	vst v63  }
0x169: {  	_ =	swait.ge [sflag:s9], $0x1000  }
0x16a: {  	[sflag:s9] =	ssyncset.done $0x0  }
0x16b: {  	[sflag:s9] =	ssyncadd.s32 $0xFFFFF000  }
0x16c: {  	[hbm4b:s17+s3] =	stream.linear.scatter [tilespmem:s2], [sflag:$0xA], $0x1000, $0x38;
	[tilespmem:$0xA200] =	vst v63  }
0x16d: {  	_ =	swait.ge [sflag:s10], $0x800  }
0x16e: {  	[sflag:s10] =	ssyncset.done $0x0  }
0x16f: {  	[sflag:s10] =	ssyncadd.s32 $0xFFFFF800  }
0x170: {  	_ =	swait.ge [sflag:s10], $0x800  }
0x171: {  	[sflag:s10] =	ssyncset.done $0x0  }
0x172: {  	[sflag:s10] =	ssyncadd.s32 $0xFFFFF800  }
0x173: {  	_ =	swait.ge [sflag:s10], $0x800  }
0x174: {  	[sflag:s10] =	ssyncset.done $0x0  }
0x175: {  	[sflag:s10] =	ssyncadd.s32 $0xFFFFF800  }
0x176: {  	_ =	swait.ge [sflag:s10], $0x800  }
0x177: {  	[sflag:s10] =	ssyncset.done $0x0  }
0x178: {  	[sflag:s10] =	ssyncadd.s32 $0xFFFFF800  }
0x179: {  	_ =	swait.ge [sflag:s10], $0x800  }
0x17a: {  	[sflag:s10] =	ssyncset.done $0x0  }
0x17b: {  	[sflag:s10] =	ssyncadd.s32 $0xFFFFF800  }
0x17c: {  	_ =	swait.ge [sflag:s10], $0x800  }
0x17d: {  	[sflag:s10] =	ssyncset.done $0x0  }
0x17e: {  	[sflag:s10] =	ssyncadd.s32 $0xFFFFF800  }
0x17f: {  	_ =	swait.ge [sflag:s10], $0x800  }
0x180: {  	[sflag:s10] =	ssyncset.done $0x0  }
0x181: {  	[sflag:s10] =	ssyncadd.s32 $0xFFFFF800  }
0x182: {  	_ =	swait.ge [sflag:s10], $0x800  }
0x183: {  	[sflag:s10] =	ssyncset.done $0x0  }
0x184: {  	[sflag:s10] =	ssyncadd.s32 $0xFFFFF800  }
0x185: {  	_ =	swait.ge [sflag:s10], $0x1000  }
0x186: {  	[sflag:s10] =	ssyncset.done $0x0  }
0x187: {  	[sflag:s10] =	ssyncadd.s32 $0xFFFFF000  }
0x188: {  	_ =	swait.ge [sflag:s10], $0x1000  }
0x189: {  	[sflag:s10] =	ssyncset.done $0x0  }
0x18a: {  	s23 =	sadd.s32 $0x1, s23;
	[sflag:s10] =	ssyncadd.s32 $0xFFFFF000  }
0x18b: {  	p0 =	sne.s32 s23, s18;
	_ =	swait.ge [sflag:s10], $0x1000  }
.Ltmp3:
0x18c: {  	[sflag:s10] =	ssyncset.done $0x0;
	(pc) =	sbr.rel @p0 .LBB2_1-.Ltmp3, $4  }
0x18d: {  	[sflag:s10] =	ssyncadd.s32 $0xFFFFF000  }
0x18e: {  	_ =	swait.ge [sflag:s10], $0x1000  }
0x18f: {  	[sflag:s10] =	ssyncset.done $0x0  }
0x190: {  	[sflag:s10] =	ssyncadd.s32 $0xFFFFF000  }
0x191: {  	_ =	sfence.sel $0x180000  }
0x192: {  	[bflag:$0x0] =	sbarrier.arrive $0xFFFF  }
0x193: {  	_ =	strace $0x90000047  }
0x194: {  	s0 =	stileid.u32;
	[bflag:$0x2] =	sbarrier.arrive $0xFFFF  }
0x195: {  	p0 =	sne.s32 s0, $0x0;
	s0 =	rddreg [dreg:$0x3]  }
0x196: {  	s0 =	sadd.s32 @!p0 $0x100000, s0  }
0x197: {  	[sflag:s0] =	ssyncadd.tile.s32 @!p0 $0x1;
	_ =	shalt  }
.Lfunc_end2:
_tile_overlayer_lowered:
.L_overlay_start_2:
0x198: {  	(tag) =	ssettag $0x2  }
0x199: {  	s0 =	rddreg [dreg:$0x0];
	s2 =	stileid.u32  }
0x19a: {  	s1 =	rddreg [dreg:$0x1];
	p0 =	sne.s32 s2, $0x0  }
0x19b: {  	s3 =	rddreg [dreg:$0x2];
	[bflag:$0x3] =	sbarrier.arrive $0xFFFF;
	s2 =	simm.s32 @!p0 $0x1C0B  }
0x19c: {  	[timem:s3], [sflag:s2] =	dma.local @!p0 [hbm:s0], s1  }
0x19d: {  	s0 =	simm.s32 @!p0 $0xB  }
0x19e: {  	_ =	swait.ge @!p0 [sflag:s0], s1  }
0x19f: {  	s1 =	ssub.s32 @!p0 $0x0, s1;
	[sflag:s0] =	ssyncset.done @!p0 $0x0  }
0x1a0: {  	[sflag:s0] =	ssyncadd.s32 @!p0 s1  }
0x1a1: {  	[bflag:$0x3] =	sbarrier.arrive $0xFFFF  }
0x1a2: {  	_ =	shalt  }

</sc_bundles>
